<compile_context>
chip_gen: v7x
topology: tpu7x:2x2x1
jax: 0.10.2.dev20260603
libtpu: 0.0.44.dev20260713+nightly
codegen_flags: <defaults>
</compile_context>

<pallas_src>
import functools

import jax
import jax.numpy as jnp
from jax import lax
from jax.experimental import pallas as pl
from jax.experimental.pallas import tpu as pltpu
from jax.experimental.pallas import tpu_sc as plsc

N_NODES = 100000
FEAT = 128
EMBED = 64
B = 4096
DEG = 32
K_SEL = 16

NC = 2
NS = 16
NW = NC * NS
RW = B // NW
NCHUNK = B * DEG // NW // 128

@functools.cache
def _sc_mesh():
    return plsc.VectorSubcoreMesh(core_axis_name="c", subcore_axis_name="s",
                                  num_cores=NC, num_subcores=NS)


SW = 16


def _scores_body(f_ref, cw_ref, cb_ref, o_ref):
    o_ref[...] = (
        jnp.dot(f_ref[...], cw_ref[...], preferred_element_type=jnp.float32)
        + cb_ref[0:1, :]
    )


def _all_scores(features, clf_w16, clf_b16):
    blk = 2000
    return pl.pallas_call(
        _scores_body,
        grid=(N_NODES // blk,),
        in_specs=[
            pl.BlockSpec((blk, FEAT), lambda i: (i, 0)),
            pl.BlockSpec((FEAT, SW), lambda i: (0, 0)),
            pl.BlockSpec((8, SW), lambda i: (0, 0)),
        ],
        out_specs=pl.BlockSpec((blk, SW), lambda i: (i, 0)),
        out_shape=jax.ShapeDtypeStruct((N_NODES, SW), jnp.float32),
    )(features, clf_w16, clf_b16)


def _gather_body(scores, features, nodes1d, nf1, nf2, nf3,
                 ns1, ns2, ns3, center, selff,
                 idxself, selfbuf, cbuf,
                 idx1d, nsb,
                 semself, sem1, sem2, sem3):
    w = lax.axis_index("s") * NC + lax.axis_index("c")
    nfs = (nf1, nf2, nf3)
    sems = (sem1, sem2, sem3)
    nsouts = (ns1, ns2, ns3)

    pltpu.sync_copy(nodes1d.at[pl.ds(w * RW, RW)], idxself)
    pltpu.async_copy(features.at[idxself], selfbuf, semself).wait()
    pltpu.async_copy(scores.at[idxself], cbuf, semself).wait()
    pltpu.sync_copy(selfbuf, selff.at[pl.ds(w * RW, RW)])
    pltpu.sync_copy(cbuf, center.at[pl.ds(w * RW, RW)])

    for rel in range(3):
        def step(r, carry, _rel=rel):
            base = w * NCHUNK * 128 + r * 128
            pltpu.sync_copy(nfs[_rel].at[pl.ds(base, 128)], idx1d)
            pltpu.async_copy(scores.at[idx1d], nsb, sems[_rel]).wait()
            pltpu.sync_copy(nsb, nsouts[_rel].at[pl.ds(base, 128)])
            return carry

        lax.fori_loop(0, NCHUNK, step, 0)


def _sc_gather(scores, features, nodes2d, nf1, nf2, nf3):
    fn = pl.kernel(
        _gather_body,
        out_type=[
            jax.ShapeDtypeStruct((B * DEG, SW), jnp.float32),
            jax.ShapeDtypeStruct((B * DEG, SW), jnp.float32),
            jax.ShapeDtypeStruct((B * DEG, SW), jnp.float32),
            jax.ShapeDtypeStruct((B, SW), jnp.float32),
            jax.ShapeDtypeStruct((B, FEAT), jnp.float32),
        ],
        mesh=_sc_mesh(),
        compiler_params=pltpu.CompilerParams(use_tc_tiling_on_sc=False),
        scratch_types=[
            pltpu.VMEM((RW,), jnp.int32),
            pltpu.VMEM((RW, FEAT), jnp.float32),
            pltpu.VMEM((RW, SW), jnp.float32),
            pltpu.VMEM((128,), jnp.int32),
            pltpu.VMEM((128, SW), jnp.float32),
            pltpu.SemaphoreType.DMA,
            pltpu.SemaphoreType.DMA,
            pltpu.SemaphoreType.DMA,
            pltpu.SemaphoreType.DMA,
        ],
    )
    return fn(scores, features, nodes2d, nf1, nf2, nf3)


def _select_body(c_ref, ns1_ref, ns2_ref, ns3_ref, nb1_ref, nb2_ref, nb3_ref,
                 s1_ref, s2_ref, s3_ref):
    blk = c_ref.shape[0]
    cs = c_ref[...]
    cc = jnp.broadcast_to(cs[:, None, :], (blk, DEG, SW)).reshape(
        blk, DEG * SW)
    mi = lax.broadcasted_iota(jnp.int32, (SW * DEG, DEG), 0) // SW
    mj = lax.broadcasted_iota(jnp.int32, (SW * DEG, DEG), 1)
    m = (mi == mj).astype(jnp.float32)
    ii = lax.broadcasted_iota(jnp.int32, (blk, DEG, DEG), 2)
    jj = lax.broadcasted_iota(jnp.int32, (blk, DEG, DEG), 1)
    for ns_ref, nb_ref, s_ref in ((ns1_ref, nb1_ref, s1_ref),
                                  (ns2_ref, nb2_ref, s2_ref),
                                  (ns3_ref, nb3_ref, s3_ref)):
        ad = jnp.abs(ns_ref[...] - cc)
        dist = lax.dot_general(ad, m, (((1,), (0,)), ((), ())),
                               precision=lax.Precision.HIGHEST)
        di = dist[:, None, :]
        dj = dist[:, :, None]
        beats = (di < dj) | ((di == dj) & (ii < jj))
        rank = jnp.sum(beats.astype(jnp.int32), axis=2)
        nb = nb_ref[...]
        rows = [jnp.sum(jnp.where(rank == k, nb, 0), axis=1)
                for k in range(K_SEL)]
        s_ref[0] = jnp.clip(jnp.stack(rows, axis=0), 0, N_NODES - 1)


def _tc_select(center, ns1, ns2, ns3, neigh1, neigh2, neigh3):
    blk = RW
    sel_shape = jax.ShapeDtypeStruct((NW, K_SEL, blk), jnp.int32)
    return pl.pallas_call(
        _select_body,
        grid=(NW,),
        in_specs=[
            pl.BlockSpec((blk, SW), lambda i: (i, 0)),
            pl.BlockSpec((blk, SW * DEG), lambda i: (i, 0)),
            pl.BlockSpec((blk, SW * DEG), lambda i: (i, 0)),
            pl.BlockSpec((blk, SW * DEG), lambda i: (i, 0)),
            pl.BlockSpec((blk, DEG), lambda i: (i, 0)),
            pl.BlockSpec((blk, DEG), lambda i: (i, 0)),
            pl.BlockSpec((blk, DEG), lambda i: (i, 0)),
        ],
        out_specs=[
            pl.BlockSpec((1, K_SEL, blk), lambda i: (i, 0, 0)),
            pl.BlockSpec((1, K_SEL, blk), lambda i: (i, 0, 0)),
            pl.BlockSpec((1, K_SEL, blk), lambda i: (i, 0, 0)),
        ],
        out_shape=[sel_shape, sel_shape, sel_shape],
    )(center, ns1, ns2, ns3, neigh1, neigh2, neigh3)


def _accum_body(features, sel1, sel2, sel3,
                agg1, agg2, agg3,
                idx1d, acc, sem):
    w = lax.axis_index("s") * NC + lax.axis_index("c")
    sels = (sel1, sel2, sel3)
    aggs = (agg1, agg2, agg3)

    for rel in range(3):
        def step(k, carry, _rel=rel):
            pltpu.sync_copy(
                sels[_rel].at[pl.ds(w * K_SEL * RW + k * RW, RW)], idx1d)
            pltpu.async_copy(features.at[idx1d], acc, sem).wait()
            pltpu.sync_copy(acc,
                            aggs[_rel].at[pl.ds(k * B + w * RW, RW)])
            return carry

        lax.fori_loop(0, K_SEL, step, 0)


def _sc_accum(features, sel1, sel2, sel3):
    agg_shape = jax.ShapeDtypeStruct((K_SEL * B, FEAT), jnp.float32)
    fn = pl.kernel(
        _accum_body,
        out_type=[agg_shape, agg_shape, agg_shape],
        mesh=_sc_mesh(),
        compiler_params=pltpu.CompilerParams(use_tc_tiling_on_sc=False),
        scratch_types=[
            pltpu.VMEM((RW,), jnp.int32),
            pltpu.VMEM((RW, FEAT), jnp.float32),
            pltpu.SemaphoreType.DMA,
        ],
    )
    return fn(features, sel1, sel2, sel3)


def _combine_body(s_ref, a1_ref, a2_ref, a3_ref,
                  w1_ref, w2_ref, w3_ref, wt_ref, o_ref):
    dn_t = (((0,), (1,)), ((), ()))
    dn_0 = (((0,), (0,)), ((), ()))
    w0 = wt_ref[0:FEAT, :]
    wr = [wt_ref[FEAT + i * EMBED:FEAT + (i + 1) * EMBED, :] for i in range(3)]
    u = lax.dot_general(w0, s_ref[...], dn_t,
                        preferred_element_type=jnp.float32)
    for i, a_ref in enumerate((a1_ref, a2_ref, a3_ref)):
        wi = (w1_ref, w2_ref, w3_ref)[i]
        asum = a_ref[0]
        for k in range(1, K_SEL):
            asum = asum + a_ref[k]
        rt = jax.nn.relu(lax.dot_general(wi[...], asum, dn_t,
                                         preferred_element_type=jnp.float32))
        u = u + lax.dot_general(wr[i], rt, dn_0,
                                preferred_element_type=jnp.float32)
    o_ref[...] = jax.nn.relu(u)


def _tc_combine(selff, agg1, agg2, agg3, w1s, w2s, w3s, weight):
    blk = 512
    return pl.pallas_call(
        _combine_body,
        grid=(B // blk,),
        in_specs=[
            pl.BlockSpec((blk, FEAT), lambda i: (i, 0)),
            pl.BlockSpec((K_SEL, blk, FEAT), lambda i: (0, i, 0)),
            pl.BlockSpec((K_SEL, blk, FEAT), lambda i: (0, i, 0)),
            pl.BlockSpec((K_SEL, blk, FEAT), lambda i: (0, i, 0)),
            pl.BlockSpec((FEAT, EMBED), lambda i: (0, 0)),
            pl.BlockSpec((FEAT, EMBED), lambda i: (0, 0)),
            pl.BlockSpec((FEAT, EMBED), lambda i: (0, 0)),
            pl.BlockSpec((FEAT + 3 * EMBED, EMBED), lambda i: (0, 0)),
        ],
        out_specs=pl.BlockSpec((EMBED, blk), lambda i: (0, i)),
        out_shape=jax.ShapeDtypeStruct((EMBED, B), jnp.float32),
    )(selff, agg1, agg2, agg3, w1s, w2s, w3s, weight)


def kernel(nodes, labels, features, train_pos, neigh_r1, neigh_r2, neigh_r3,
           weight, clf_w, clf_b, w1, w2, w3):
    del labels, train_pos
    clf_w16 = jnp.pad(clf_w, ((0, 0), (0, SW - 2)))
    clf_b16 = jnp.broadcast_to(jnp.pad(clf_b, (0, SW - 2)), (8, SW))
    scores = _all_scores(features, clf_w16, clf_b16)

    nodes1d = nodes.astype(jnp.int32)
    nf1 = neigh_r1.reshape(-1).astype(jnp.int32)
    nf2 = neigh_r2.reshape(-1).astype(jnp.int32)
    nf3 = neigh_r3.reshape(-1).astype(jnp.int32)
    ns1, ns2, ns3, center, selff = _sc_gather(
        scores, features, nodes1d, nf1, nf2, nf3)

    sel1, sel2, sel3 = _tc_select(
        center,
        ns1.reshape(B, SW * DEG), ns2.reshape(B, SW * DEG),
        ns3.reshape(B, SW * DEG),
        neigh_r1.astype(jnp.int32), neigh_r2.astype(jnp.int32),
        neigh_r3.astype(jnp.int32),
    )

    agg1, agg2, agg3 = _sc_accum(
        features,
        sel1.reshape(NW * K_SEL * RW),
        sel2.reshape(NW * K_SEL * RW),
        sel3.reshape(NW * K_SEL * RW),
    )

    inv = jnp.float32(1.0 / K_SEL)
    combined = _tc_combine(selff,
                           agg1.reshape(K_SEL, B, FEAT),
                           agg2.reshape(K_SEL, B, FEAT),
                           agg3.reshape(K_SEL, B, FEAT),
                           w1 * inv, w2 * inv, w3 * inv, weight)
    return combined, center[:, 0:2]

# --- scband reference (transcript-rebuilt; emitter-appended) ---
"""Pipeline reference for scband-inter-agg-87789131530588 (READ-ONLY COPY).

The authoritative reference and input builder live on the scoring server;
editing this copy changes nothing except your own understanding.
"""

import jax, jax.numpy as jnp
import numpy as np
import math

N_NODES = 100000
FEAT = 128
EMBED = 64
B = 4096
DEG = 32
P = 2048
THRESH = 0.5
K_SEL = math.ceil(DEG * THRESH)


def setup_inputs(seed: int = 0) -> dict:
    key = jax.random.key(seed)
    ks = jax.random.split(key, 14)
    features = jax.random.normal(ks[0], (N_NODES, FEAT), dtype=jnp.float32)
    nodes = jax.random.randint(ks[1], (B,), 0, N_NODES)
    labels = jax.random.randint(ks[2], (B,), 0, 2)
    neigh_r1 = jax.random.randint(ks[3], (B, DEG), 0, N_NODES)
    neigh_r2 = jax.random.randint(ks[4], (B, DEG), 0, N_NODES)
    neigh_r3 = jax.random.randint(ks[5], (B, DEG), 0, N_NODES)
    train_pos = jax.random.randint(ks[6], (P,), 0, N_NODES)
    lim = math.sqrt(6.0 / (EMBED * 3 + FEAT + EMBED))
    weight = jax.random.uniform(ks[7], (EMBED * 3 + FEAT, EMBED), minval=-lim, maxval=lim, dtype=jnp.float32)
    clf_w = jax.random.normal(ks[8], (FEAT, 2), dtype=jnp.float32) * 0.05
    clf_b = jnp.zeros((2,), dtype=jnp.float32)
    lim_r = math.sqrt(6.0 / (FEAT + EMBED))
    w1 = jax.random.uniform(ks[9], (FEAT, EMBED), minval=-lim_r, maxval=lim_r, dtype=jnp.float32)
    w2 = jax.random.uniform(ks[10], (FEAT, EMBED), minval=-lim_r, maxval=lim_r, dtype=jnp.float32)
    w3 = jax.random.uniform(ks[11], (FEAT, EMBED), minval=-lim_r, maxval=lim_r, dtype=jnp.float32)
    return {
        'nodes': nodes, 'labels': labels, 'features': features, 'train_pos': train_pos,
        'neigh_r1': neigh_r1, 'neigh_r2': neigh_r2, 'neigh_r3': neigh_r3,
        'weight': weight, 'clf_w': clf_w, 'clf_b': clf_b, 'w1': w1, 'w2': w2, 'w3': w3,
    }


def _intra_agg(features, neigh, center_scores, clf_w, clf_b, Wr):
    # gather neighbor features: [B, DEG, FEAT]
    nf = jnp.take(features, neigh, axis=0)
    # label-aware scores of neighbors (label_clf): [B, DEG, 2]
    ns = nf @ clf_w + clf_b
    # L1 distance of neighbor scores to center score (CARE-GNN neighbor filtering)
    dist = jnp.sum(jnp.abs(ns - center_scores[:, None, :]), axis=-1)  # [B, DEG]
    # keep ceil(DEG * threshold) closest neighbors (top-k of negative distance)
    _, sel_idx = jax.lax.top_k(-dist, K_SEL)  # [B, K_SEL]
    sel_feats = jnp.take_along_axis(nf, sel_idx[:, :, None], axis=1)  # [B, K_SEL, FEAT]
    agg = jnp.mean(sel_feats, axis=1)  # [B, FEAT]
    r_feats = jax.nn.relu(agg @ Wr)  # [B, EMBED]
    sel_scores = jnp.take_along_axis(ns, sel_idx[:, :, None], axis=1)
    return r_feats, sel_scores


def reference(nodes, labels, features, train_pos, neigh_r1, neigh_r2, neigh_r3,
              weight, clf_w, clf_b, w1, w2, w3):
    # center node label-aware scores (label_clf on gathered batch features)
    self_feats = jnp.take(features, nodes, axis=0)  # [B, FEAT]
    center_scores = self_feats @ clf_w + clf_b  # [B, 2]
    # pos scores (computed in original forward; gathered for parity)
    pos_feats = jnp.take(features, train_pos, axis=0)
    pos_scores = pos_feats @ clf_w + clf_b
    _ = pos_scores
    # three intra-relation aggregators with threshold-based neighbor filtering
    r1_feats, _ = _intra_agg(features, neigh_r1, center_scores, clf_w, clf_b, w1)
    r2_feats, _ = _intra_agg(features, neigh_r2, center_scores, clf_w, clf_b, w2)
    r3_feats, _ = _intra_agg(features, neigh_r3, center_scores, clf_w, clf_b, w3)
    # inter-relation aggregation: concat + linear + relu, transposed
    cat_feats = jnp.concatenate([self_feats, r1_feats, r2_feats, r3_feats], axis=1)  # [B, FEAT+3*EMBED]
    combined = jax.nn.relu(cat_feats @ weight).T  # [EMBED, B]
    return combined, center_scores

if __name__ == "__main__":
    import jax
    _d = setup_inputs()
    print(jax.jit(kernel)(*tuple(_d.values())))

</pallas_src>

<mosaic_0001>
#map = affine_map<(d0, d1) -> (0, 0)>
#map1 = affine_map<(d0, d1) -> (0)>
module attributes {stable_mosaic.version = 14 : i64} {
  func.func @_gather_body(%arg0: i32, %arg1: i32, %arg2: memref<100000x16xf32, #tpu.memory_space<hbm>>, %arg3: memref<100000x128xf32, #tpu.memory_space<hbm>>, %arg4: memref<4096xi32, #tpu.memory_space<hbm>>, %arg5: memref<131072xi32, #tpu.memory_space<hbm>>, %arg6: memref<131072xi32, #tpu.memory_space<hbm>>, %arg7: memref<131072xi32, #tpu.memory_space<hbm>>, %arg8: memref<131072x16xf32, #tpu.memory_space<hbm>>, %arg9: memref<131072x16xf32, #tpu.memory_space<hbm>>, %arg10: memref<131072x16xf32, #tpu.memory_space<hbm>>, %arg11: memref<4096x16xf32, #tpu.memory_space<hbm>>, %arg12: memref<4096x128xf32, #tpu.memory_space<hbm>>, %arg13: memref<128xi32, #tpu.memory_space<vmem>>, %arg14: memref<128x128xf32, #tpu.memory_space<vmem>>, %arg15: memref<128x16xf32, #tpu.memory_space<vmem>>, %arg16: memref<128xi32, #tpu.memory_space<vmem>>, %arg17: memref<128x16xf32, #tpu.memory_space<vmem>>, %arg18: memref<!tpu.dma_semaphore, #tpu.memory_space<semaphore_mem>>, %arg19: memref<!tpu.dma_semaphore, #tpu.memory_space<semaphore_mem>>, %arg20: memref<!tpu.dma_semaphore, #tpu.memory_space<semaphore_mem>>, %arg21: memref<!tpu.dma_semaphore, #tpu.memory_space<semaphore_mem>>) attributes {dimension_semantics = [#tpu.dimension_semantics<core_parallel>, #tpu.dimension_semantics<subcore_parallel>], iteration_bounds = array<i64: 2, 16>, scalar_prefetch = 0 : i64, scratch_operands = 9 : i64, tpu.core_type = #tpu.core_type<sc_vector_subcore>, window_params = [{transform_indices = #map}, {transform_indices = #map}, {transform_indices = #map1}, {transform_indices = #map1}, {transform_indices = #map1}, {transform_indices = #map1}, {transform_indices = #map}, {transform_indices = #map}, {transform_indices = #map}, {transform_indices = #map}, {transform_indices = #map}]} {
    %mul3A = arith.constant 2 : i32
    %mul3A_0 = arith.muli %arg1, %mul3A : i32
    %add3A = arith.addi %mul3A_0, %arg0 : i32
    %mul3A_1 = arith.constant 128 : i32
    %mul3A_2 = arith.muli %add3A, %mul3A_1 : i32
    "tpu.region"() ({
      %run_scoped3A = tpu.sem_alloc : memref<!tpu.dma_semaphore, #tpu.memory_space<semaphore_mem>>
      %dma_start3A_34 = tpu.memref_slice %arg4[%mul3A_2] : memref<4096xi32, #tpu.memory_space<hbm>> -> memref<128xi32, #tpu.memory_space<hbm>>
      %dma_start3A_35 = tpu.memref_slice %arg4[%mul3A_2] : memref<4096xi32, #tpu.memory_space<hbm>> -> memref<128xi32, #tpu.memory_space<hbm>>
      tpu.enqueue_dma source(%dma_start3A_35 : memref<128xi32, #tpu.memory_space<hbm>>) target(%arg13 : memref<128xi32, #tpu.memory_space<vmem>>) target_semaphore(%run_scoped3A : memref<!tpu.dma_semaphore, #tpu.memory_space<semaphore_mem>>)
      %dma_wait3A_36 = tpu.memref_slice %arg4[%mul3A_2] : memref<4096xi32, #tpu.memory_space<hbm>> -> memref<128xi32, #tpu.memory_space<hbm>>
      %dma_wait3A_37 = tpu.memref_slice %arg4[%mul3A_2] : memref<4096xi32, #tpu.memory_space<hbm>> -> memref<128xi32, #tpu.memory_space<hbm>>
      tpu.wait_dma2 semaphore(%run_scoped3A : memref<!tpu.dma_semaphore, #tpu.memory_space<semaphore_mem>>) src(%dma_wait3A_37 : memref<128xi32, #tpu.memory_space<hbm>>) dst(%arg13 : memref<128xi32, #tpu.memory_space<vmem>>)
      tpu.yield
    }) : () -> ()
    %dma_start3A = arith.constant 0 : i32
    %dma_start3A_3 = arith.constant 0 : i32
    %dma_start3A_4 = tpu.memref_slice %arg3[%dma_start3A, %dma_start3A_3] : memref<100000x128xf32, #tpu.memory_space<hbm>> -> memref<100000x128xf32, #tpu.memory_space<hbm>>
    tpu.enqueue_indirect_dma source(%dma_start3A_4 : memref<100000x128xf32, #tpu.memory_space<hbm>>) target(%arg14 : memref<128x128xf32, #tpu.memory_space<vmem>>) offsets(%arg13 : memref<128xi32, #tpu.memory_space<vmem>>) semaphore(%arg18 : memref<!tpu.dma_semaphore, #tpu.memory_space<semaphore_mem>>)
    %dma_wait3A = arith.constant 0 : i32
    %dma_wait3A_5 = arith.constant 0 : i32
    %dma_wait3A_6 = tpu.memref_slice %arg3[%dma_wait3A, %dma_wait3A_5] : memref<100000x128xf32, #tpu.memory_space<hbm>> -> memref<100000x128xf32, #tpu.memory_space<hbm>>
    tpu.wait_indirect_dma semaphore(%arg18 : memref<!tpu.dma_semaphore, #tpu.memory_space<semaphore_mem>>) src(%dma_wait3A_6 : memref<100000x128xf32, #tpu.memory_space<hbm>>) dst(%arg14 : memref<128x128xf32, #tpu.memory_space<vmem>>)
    %dma_start3A_7 = arith.constant 0 : i32
    %dma_start3A_8 = arith.constant 0 : i32
    %dma_start3A_9 = tpu.memref_slice %arg2[%dma_start3A_7, %dma_start3A_8] : memref<100000x16xf32, #tpu.memory_space<hbm>> -> memref<100000x16xf32, #tpu.memory_space<hbm>>
    tpu.enqueue_indirect_dma source(%dma_start3A_9 : memref<100000x16xf32, #tpu.memory_space<hbm>>) target(%arg15 : memref<128x16xf32, #tpu.memory_space<vmem>>) offsets(%arg13 : memref<128xi32, #tpu.memory_space<vmem>>) semaphore(%arg18 : memref<!tpu.dma_semaphore, #tpu.memory_space<semaphore_mem>>)
    %dma_wait3A_10 = arith.constant 0 : i32
    %dma_wait3A_11 = arith.constant 0 : i32
    %dma_wait3A_12 = tpu.memref_slice %arg2[%dma_wait3A_10, %dma_wait3A_11] : memref<100000x16xf32, #tpu.memory_space<hbm>> -> memref<100000x16xf32, #tpu.memory_space<hbm>>
    tpu.wait_indirect_dma semaphore(%arg18 : memref<!tpu.dma_semaphore, #tpu.memory_space<semaphore_mem>>) src(%dma_wait3A_12 : memref<100000x16xf32, #tpu.memory_space<hbm>>) dst(%arg15 : memref<128x16xf32, #tpu.memory_space<vmem>>)
    %mul3A_13 = arith.constant 128 : i32
    %mul3A_14 = arith.muli %add3A, %mul3A_13 : i32
    "tpu.region"() ({
      %run_scoped3A = tpu.sem_alloc : memref<!tpu.dma_semaphore, #tpu.memory_space<semaphore_mem>>
      %dma_start3A_34 = arith.constant 0 : i32
      %dma_start3A_35 = tpu.memref_slice %arg12[%mul3A_14, %dma_start3A_34] : memref<4096x128xf32, #tpu.memory_space<hbm>> -> memref<128x128xf32, #tpu.memory_space<hbm>>
      %dma_start3A_36 = arith.constant 0 : i32
      %dma_start3A_37 = tpu.memref_slice %arg12[%mul3A_14, %dma_start3A_36] : memref<4096x128xf32, #tpu.memory_space<hbm>> -> memref<128x128xf32, #tpu.memory_space<hbm>>
      tpu.enqueue_dma source(%arg14 : memref<128x128xf32, #tpu.memory_space<vmem>>) target(%dma_start3A_37 : memref<128x128xf32, #tpu.memory_space<hbm>>) target_semaphore(%run_scoped3A : memref<!tpu.dma_semaphore, #tpu.memory_space<semaphore_mem>>)
      %dma_wait3A_38 = arith.constant 0 : i32
      %dma_wait3A_39 = tpu.memref_slice %arg12[%mul3A_14, %dma_wait3A_38] : memref<4096x128xf32, #tpu.memory_space<hbm>> -> memref<128x128xf32, #tpu.memory_space<hbm>>
      %dma_wait3A_40 = arith.constant 0 : i32
      %dma_wait3A_41 = tpu.memref_slice %arg12[%mul3A_14, %dma_wait3A_40] : memref<4096x128xf32, #tpu.memory_space<hbm>> -> memref<128x128xf32, #tpu.memory_space<hbm>>
      tpu.wait_dma2 semaphore(%run_scoped3A : memref<!tpu.dma_semaphore, #tpu.memory_space<semaphore_mem>>) src(%arg14 : memref<128x128xf32, #tpu.memory_space<vmem>>) dst(%dma_wait3A_41 : memref<128x128xf32, #tpu.memory_space<hbm>>)
      tpu.yield
    }) : () -> ()
    %mul3A_15 = arith.constant 128 : i32
    %mul3A_16 = arith.muli %add3A, %mul3A_15 : i32
    "tpu.region"() ({
      %run_scoped3A = tpu.sem_alloc : memref<!tpu.dma_semaphore, #tpu.memory_space<semaphore_mem>>
      %dma_start3A_34 = arith.constant 0 : i32
      %dma_start3A_35 = tpu.memref_slice %arg11[%mul3A_16, %dma_start3A_34] : memref<4096x16xf32, #tpu.memory_space<hbm>> -> memref<128x16xf32, #tpu.memory_space<hbm>>
      %dma_start3A_36 = arith.constant 0 : i32
      %dma_start3A_37 = tpu.memref_slice %arg11[%mul3A_16, %dma_start3A_36] : memref<4096x16xf32, #tpu.memory_space<hbm>> -> memref<128x16xf32, #tpu.memory_space<hbm>>
      tpu.enqueue_dma source(%arg15 : memref<128x16xf32, #tpu.memory_space<vmem>>) target(%dma_start3A_37 : memref<128x16xf32, #tpu.memory_space<hbm>>) target_semaphore(%run_scoped3A : memref<!tpu.dma_semaphore, #tpu.memory_space<semaphore_mem>>)
      %dma_wait3A_38 = arith.constant 0 : i32
      %dma_wait3A_39 = tpu.memref_slice %arg11[%mul3A_16, %dma_wait3A_38] : memref<4096x16xf32, #tpu.memory_space<hbm>> -> memref<128x16xf32, #tpu.memory_space<hbm>>
      %dma_wait3A_40 = arith.constant 0 : i32
      %dma_wait3A_41 = tpu.memref_slice %arg11[%mul3A_16, %dma_wait3A_40] : memref<4096x16xf32, #tpu.memory_space<hbm>> -> memref<128x16xf32, #tpu.memory_space<hbm>>
      tpu.wait_dma2 semaphore(%run_scoped3A : memref<!tpu.dma_semaphore, #tpu.memory_space<semaphore_mem>>) src(%arg15 : memref<128x16xf32, #tpu.memory_space<vmem>>) dst(%dma_wait3A_41 : memref<128x16xf32, #tpu.memory_space<hbm>>)
      tpu.yield
    }) : () -> ()
    %scan3A = arith.constant 0 : i32
    %scan3A_17 = arith.constant 0 : i32
    %scan3A_18 = arith.constant 32 : i32
    %scan3A_19 = arith.addi %scan3A_17, %scan3A_18 : i32
    %scan3A_20 = arith.constant 1 : i32
    scf.for %scan3A_34 = %scan3A_17 to %scan3A_19 step %scan3A_20  : i32 {
      %mul3A_35 = arith.constant 32 : i32
      %mul3A_36 = arith.muli %add3A, %mul3A_35 : i32
      %mul3A_37 = arith.constant 128 : i32
      %mul3A_38 = arith.muli %mul3A_36, %mul3A_37 : i32
      %mul3A_39 = arith.constant 128 : i32
      %mul3A_40 = arith.muli %scan3A_34, %mul3A_39 : i32
      %add3A_41 = arith.addi %mul3A_38, %mul3A_40 : i32
      "tpu.region"() ({
        %run_scoped3A = tpu.sem_alloc : memref<!tpu.dma_semaphore, #tpu.memory_space<semaphore_mem>>
        %dma_start3A_48 = tpu.memref_slice %arg5[%add3A_41] : memref<131072xi32, #tpu.memory_space<hbm>> -> memref<128xi32, #tpu.memory_space<hbm>>
        %dma_start3A_49 = tpu.memref_slice %arg5[%add3A_41] : memref<131072xi32, #tpu.memory_space<hbm>> -> memref<128xi32, #tpu.memory_space<hbm>>
        tpu.enqueue_dma source(%dma_start3A_49 : memref<128xi32, #tpu.memory_space<hbm>>) target(%arg16 : memref<128xi32, #tpu.memory_space<vmem>>) target_semaphore(%run_scoped3A : memref<!tpu.dma_semaphore, #tpu.memory_space<semaphore_mem>>)
        %dma_wait3A_50 = tpu.memref_slice %arg5[%add3A_41] : memref<131072xi32, #tpu.memory_space<hbm>> -> memref<128xi32, #tpu.memory_space<hbm>>
        %dma_wait3A_51 = tpu.memref_slice %arg5[%add3A_41] : memref<131072xi32, #tpu.memory_space<hbm>> -> memref<128xi32, #tpu.memory_space<hbm>>
        tpu.wait_dma2 semaphore(%run_scoped3A : memref<!tpu.dma_semaphore, #tpu.memory_space<semaphore_mem>>) src(%dma_wait3A_51 : memref<128xi32, #tpu.memory_space<hbm>>) dst(%arg16 : memref<128xi32, #tpu.memory_space<vmem>>)
        tpu.yield
      }) : () -> ()
      %dma_start3A_42 = arith.constant 0 : i32
      %dma_start3A_43 = arith.constant 0 : i32
      %dma_start3A_44 = tpu.memref_slice %arg2[%dma_start3A_42, %dma_start3A_43] : memref<100000x16xf32, #tpu.memory_space<hbm>> -> memref<100000x16xf32, #tpu.memory_space<hbm>>
      tpu.enqueue_indirect_dma source(%dma_start3A_44 : memref<100000x16xf32, #tpu.memory_space<hbm>>) target(%arg17 : memref<128x16xf32, #tpu.memory_space<vmem>>) offsets(%arg16 : memref<128xi32, #tpu.memory_space<vmem>>) semaphore(%arg19 : memref<!tpu.dma_semaphore, #tpu.memory_space<semaphore_mem>>)
      %dma_wait3A_45 = arith.constant 0 : i32
      %dma_wait3A_46 = arith.constant 0 : i32
      %dma_wait3A_47 = tpu.memref_slice %arg2[%dma_wait3A_45, %dma_wait3A_46] : memref<100000x16xf32, #tpu.memory_space<hbm>> -> memref<100000x16xf32, #tpu.memory_space<hbm>>
      tpu.wait_indirect_dma semaphore(%arg19 : memref<!tpu.dma_semaphore, #tpu.memory_space<semaphore_mem>>) src(%dma_wait3A_47 : memref<100000x16xf32, #tpu.memory_space<hbm>>) dst(%arg17 : memref<128x16xf32, #tpu.memory_space<vmem>>)
      "tpu.region"() ({
        %run_scoped3A = tpu.sem_alloc : memref<!tpu.dma_semaphore, #tpu.memory_space<semaphore_mem>>
        %dma_start3A_48 = arith.constant 0 : i32
        %dma_start3A_49 = tpu.memref_slice %arg8[%add3A_41, %dma_start3A_48] : memref<131072x16xf32, #tpu.memory_space<hbm>> -> memref<128x16xf32, #tpu.memory_space<hbm>>
        %dma_start3A_50 = arith.constant 0 : i32
        %dma_start3A_51 = tpu.memref_slice %arg8[%add3A_41, %dma_start3A_50] : memref<131072x16xf32, #tpu.memory_space<hbm>> -> memref<128x16xf32, #tpu.memory_space<hbm>>
        tpu.enqueue_dma source(%arg17 : memref<128x16xf32, #tpu.memory_space<vmem>>) target(%dma_start3A_51 : memref<128x16xf32, #tpu.memory_space<hbm>>) target_semaphore(%run_scoped3A : memref<!tpu.dma_semaphore, #tpu.memory_space<semaphore_mem>>)
        %dma_wait3A_52 = arith.constant 0 : i32
        %dma_wait3A_53 = tpu.memref_slice %arg8[%add3A_41, %dma_wait3A_52] : memref<131072x16xf32, #tpu.memory_space<hbm>> -> memref<128x16xf32, #tpu.memory_space<hbm>>
        %dma_wait3A_54 = arith.constant 0 : i32
        %dma_wait3A_55 = tpu.memref_slice %arg8[%add3A_41, %dma_wait3A_54] : memref<131072x16xf32, #tpu.memory_space<hbm>> -> memref<128x16xf32, #tpu.memory_space<hbm>>
        tpu.wait_dma2 semaphore(%run_scoped3A : memref<!tpu.dma_semaphore, #tpu.memory_space<semaphore_mem>>) src(%arg17 : memref<128x16xf32, #tpu.memory_space<vmem>>) dst(%dma_wait3A_55 : memref<128x16xf32, #tpu.memory_space<hbm>>)
        tpu.yield
      }) : () -> ()
    }
    %scan3A_21 = arith.constant 32 : i32
    %scan3A_22 = arith.constant 0 : i32
    %scan3A_23 = arith.constant 0 : i32
    %scan3A_24 = arith.constant 32 : i32
    %scan3A_25 = arith.addi %scan3A_23, %scan3A_24 : i32
    %scan3A_26 = arith.constant 1 : i32
    scf.for %scan3A_34 = %scan3A_23 to %scan3A_25 step %scan3A_26  : i32 {
      %mul3A_35 = arith.constant 32 : i32
      %mul3A_36 = arith.muli %add3A, %mul3A_35 : i32
      %mul3A_37 = arith.constant 128 : i32
      %mul3A_38 = arith.muli %mul3A_36, %mul3A_37 : i32
      %mul3A_39 = arith.constant 128 : i32
      %mul3A_40 = arith.muli %scan3A_34, %mul3A_39 : i32
      %add3A_41 = arith.addi %mul3A_38, %mul3A_40 : i32
      "tpu.region"() ({
        %run_scoped3A = tpu.sem_alloc : memref<!tpu.dma_semaphore, #tpu.memory_space<semaphore_mem>>
        %dma_start3A_48 = tpu.memref_slice %arg6[%add3A_41] : memref<131072xi32, #tpu.memory_space<hbm>> -> memref<128xi32, #tpu.memory_space<hbm>>
        %dma_start3A_49 = tpu.memref_slice %arg6[%add3A_41] : memref<131072xi32, #tpu.memory_space<hbm>> -> memref<128xi32, #tpu.memory_space<hbm>>
        tpu.enqueue_dma source(%dma_start3A_49 : memref<128xi32, #tpu.memory_space<hbm>>) target(%arg16 : memref<128xi32, #tpu.memory_space<vmem>>) target_semaphore(%run_scoped3A : memref<!tpu.dma_semaphore, #tpu.memory_space<semaphore_mem>>)
        %dma_wait3A_50 = tpu.memref_slice %arg6[%add3A_41] : memref<131072xi32, #tpu.memory_space<hbm>> -> memref<128xi32, #tpu.memory_space<hbm>>
        %dma_wait3A_51 = tpu.memref_slice %arg6[%add3A_41] : memref<131072xi32, #tpu.memory_space<hbm>> -> memref<128xi32, #tpu.memory_space<hbm>>
        tpu.wait_dma2 semaphore(%run_scoped3A : memref<!tpu.dma_semaphore, #tpu.memory_space<semaphore_mem>>) src(%dma_wait3A_51 : memref<128xi32, #tpu.memory_space<hbm>>) dst(%arg16 : memref<128xi32, #tpu.memory_space<vmem>>)
        tpu.yield
      }) : () -> ()
      %dma_start3A_42 = arith.constant 0 : i32
      %dma_start3A_43 = arith.constant 0 : i32
      %dma_start3A_44 = tpu.memref_slice %arg2[%dma_start3A_42, %dma_start3A_43] : memref<100000x16xf32, #tpu.memory_space<hbm>> -> memref<100000x16xf32, #tpu.memory_space<hbm>>
      tpu.enqueue_indirect_dma source(%dma_start3A_44 : memref<100000x16xf32, #tpu.memory_space<hbm>>) target(%arg17 : memref<128x16xf32, #tpu.memory_space<vmem>>) offsets(%arg16 : memref<128xi32, #tpu.memory_space<vmem>>) semaphore(%arg20 : memref<!tpu.dma_semaphore, #tpu.memory_space<semaphore_mem>>)
      %dma_wait3A_45 = arith.constant 0 : i32
      %dma_wait3A_46 = arith.constant 0 : i32
      %dma_wait3A_47 = tpu.memref_slice %arg2[%dma_wait3A_45, %dma_wait3A_46] : memref<100000x16xf32, #tpu.memory_space<hbm>> -> memref<100000x16xf32, #tpu.memory_space<hbm>>
      tpu.wait_indirect_dma semaphore(%arg20 : memref<!tpu.dma_semaphore, #tpu.memory_space<semaphore_mem>>) src(%dma_wait3A_47 : memref<100000x16xf32, #tpu.memory_space<hbm>>) dst(%arg17 : memref<128x16xf32, #tpu.memory_space<vmem>>)
      "tpu.region"() ({
        %run_scoped3A = tpu.sem_alloc : memref<!tpu.dma_semaphore, #tpu.memory_space<semaphore_mem>>
        %dma_start3A_48 = arith.constant 0 : i32
        %dma_start3A_49 = tpu.memref_slice %arg9[%add3A_41, %dma_start3A_48] : memref<131072x16xf32, #tpu.memory_space<hbm>> -> memref<128x16xf32, #tpu.memory_space<hbm>>
        %dma_start3A_50 = arith.constant 0 : i32
        %dma_start3A_51 = tpu.memref_slice %arg9[%add3A_41, %dma_start3A_50] : memref<131072x16xf32, #tpu.memory_space<hbm>> -> memref<128x16xf32, #tpu.memory_space<hbm>>
        tpu.enqueue_dma source(%arg17 : memref<128x16xf32, #tpu.memory_space<vmem>>) target(%dma_start3A_51 : memref<128x16xf32, #tpu.memory_space<hbm>>) target_semaphore(%run_scoped3A : memref<!tpu.dma_semaphore, #tpu.memory_space<semaphore_mem>>)
        %dma_wait3A_52 = arith.constant 0 : i32
        %dma_wait3A_53 = tpu.memref_slice %arg9[%add3A_41, %dma_wait3A_52] : memref<131072x16xf32, #tpu.memory_space<hbm>> -> memref<128x16xf32, #tpu.memory_space<hbm>>
        %dma_wait3A_54 = arith.constant 0 : i32
        %dma_wait3A_55 = tpu.memref_slice %arg9[%add3A_41, %dma_wait3A_54] : memref<131072x16xf32, #tpu.memory_space<hbm>> -> memref<128x16xf32, #tpu.memory_space<hbm>>
        tpu.wait_dma2 semaphore(%run_scoped3A : memref<!tpu.dma_semaphore, #tpu.memory_space<semaphore_mem>>) src(%arg17 : memref<128x16xf32, #tpu.memory_space<vmem>>) dst(%dma_wait3A_55 : memref<128x16xf32, #tpu.memory_space<hbm>>)
        tpu.yield
      }) : () -> ()
    }
    %scan3A_27 = arith.constant 32 : i32
    %scan3A_28 = arith.constant 0 : i32
    %scan3A_29 = arith.constant 0 : i32
    %scan3A_30 = arith.constant 32 : i32
    %scan3A_31 = arith.addi %scan3A_29, %scan3A_30 : i32
    %scan3A_32 = arith.constant 1 : i32
    scf.for %scan3A_34 = %scan3A_29 to %scan3A_31 step %scan3A_32  : i32 {
      %mul3A_35 = arith.constant 32 : i32
      %mul3A_36 = arith.muli %add3A, %mul3A_35 : i32
      %mul3A_37 = arith.constant 128 : i32
      %mul3A_38 = arith.muli %mul3A_36, %mul3A_37 : i32
      %mul3A_39 = arith.constant 128 : i32
      %mul3A_40 = arith.muli %scan3A_34, %mul3A_39 : i32
      %add3A_41 = arith.addi %mul3A_38, %mul3A_40 : i32
      "tpu.region"() ({
        %run_scoped3A = tpu.sem_alloc : memref<!tpu.dma_semaphore, #tpu.memory_space<semaphore_mem>>
        %dma_start3A_48 = tpu.memref_slice %arg7[%add3A_41] : memref<131072xi32, #tpu.memory_space<hbm>> -> memref<128xi32, #tpu.memory_space<hbm>>
        %dma_start3A_49 = tpu.memref_slice %arg7[%add3A_41] : memref<131072xi32, #tpu.memory_space<hbm>> -> memref<128xi32, #tpu.memory_space<hbm>>
        tpu.enqueue_dma source(%dma_start3A_49 : memref<128xi32, #tpu.memory_space<hbm>>) target(%arg16 : memref<128xi32, #tpu.memory_space<vmem>>) target_semaphore(%run_scoped3A : memref<!tpu.dma_semaphore, #tpu.memory_space<semaphore_mem>>)
        %dma_wait3A_50 = tpu.memref_slice %arg7[%add3A_41] : memref<131072xi32, #tpu.memory_space<hbm>> -> memref<128xi32, #tpu.memory_space<hbm>>
        %dma_wait3A_51 = tpu.memref_slice %arg7[%add3A_41] : memref<131072xi32, #tpu.memory_space<hbm>> -> memref<128xi32, #tpu.memory_space<hbm>>
        tpu.wait_dma2 semaphore(%run_scoped3A : memref<!tpu.dma_semaphore, #tpu.memory_space<semaphore_mem>>) src(%dma_wait3A_51 : memref<128xi32, #tpu.memory_space<hbm>>) dst(%arg16 : memref<128xi32, #tpu.memory_space<vmem>>)
        tpu.yield
      }) : () -> ()
      %dma_start3A_42 = arith.constant 0 : i32
      %dma_start3A_43 = arith.constant 0 : i32
      %dma_start3A_44 = tpu.memref_slice %arg2[%dma_start3A_42, %dma_start3A_43] : memref<100000x16xf32, #tpu.memory_space<hbm>> -> memref<100000x16xf32, #tpu.memory_space<hbm>>
      tpu.enqueue_indirect_dma source(%dma_start3A_44 : memref<100000x16xf32, #tpu.memory_space<hbm>>) target(%arg17 : memref<128x16xf32, #tpu.memory_space<vmem>>) offsets(%arg16 : memref<128xi32, #tpu.memory_space<vmem>>) semaphore(%arg21 : memref<!tpu.dma_semaphore, #tpu.memory_space<semaphore_mem>>)
      %dma_wait3A_45 = arith.constant 0 : i32
      %dma_wait3A_46 = arith.constant 0 : i32
      %dma_wait3A_47 = tpu.memref_slice %arg2[%dma_wait3A_45, %dma_wait3A_46] : memref<100000x16xf32, #tpu.memory_space<hbm>> -> memref<100000x16xf32, #tpu.memory_space<hbm>>
      tpu.wait_indirect_dma semaphore(%arg21 : memref<!tpu.dma_semaphore, #tpu.memory_space<semaphore_mem>>) src(%dma_wait3A_47 : memref<100000x16xf32, #tpu.memory_space<hbm>>) dst(%arg17 : memref<128x16xf32, #tpu.memory_space<vmem>>)
      "tpu.region"() ({
        %run_scoped3A = tpu.sem_alloc : memref<!tpu.dma_semaphore, #tpu.memory_space<semaphore_mem>>
        %dma_start3A_48 = arith.constant 0 : i32
        %dma_start3A_49 = tpu.memref_slice %arg10[%add3A_41, %dma_start3A_48] : memref<131072x16xf32, #tpu.memory_space<hbm>> -> memref<128x16xf32, #tpu.memory_space<hbm>>
        %dma_start3A_50 = arith.constant 0 : i32
        %dma_start3A_51 = tpu.memref_slice %arg10[%add3A_41, %dma_start3A_50] : memref<131072x16xf32, #tpu.memory_space<hbm>> -> memref<128x16xf32, #tpu.memory_space<hbm>>
        tpu.enqueue_dma source(%arg17 : memref<128x16xf32, #tpu.memory_space<vmem>>) target(%dma_start3A_51 : memref<128x16xf32, #tpu.memory_space<hbm>>) target_semaphore(%run_scoped3A : memref<!tpu.dma_semaphore, #tpu.memory_space<semaphore_mem>>)
        %dma_wait3A_52 = arith.constant 0 : i32
        %dma_wait3A_53 = tpu.memref_slice %arg10[%add3A_41, %dma_wait3A_52] : memref<131072x16xf32, #tpu.memory_space<hbm>> -> memref<128x16xf32, #tpu.memory_space<hbm>>
        %dma_wait3A_54 = arith.constant 0 : i32
        %dma_wait3A_55 = tpu.memref_slice %arg10[%add3A_41, %dma_wait3A_54] : memref<131072x16xf32, #tpu.memory_space<hbm>> -> memref<128x16xf32, #tpu.memory_space<hbm>>
        tpu.wait_dma2 semaphore(%run_scoped3A : memref<!tpu.dma_semaphore, #tpu.memory_space<semaphore_mem>>) src(%arg17 : memref<128x16xf32, #tpu.memory_space<vmem>>) dst(%dma_wait3A_55 : memref<128x16xf32, #tpu.memory_space<hbm>>)
        tpu.yield
      }) : () -> ()
    }
    %scan3A_33 = arith.constant 32 : i32
    return
  }
}

#map = affine_map<(d0, d1) -> (0, 0)>
#map1 = affine_map<(d0, d1) -> (0)>
module attributes {stable_mosaic.version = 14 : i64} {
  func.func @_accum_body(%arg0: i32, %arg1: i32, %arg2: memref<100000x128xf32, #tpu.memory_space<hbm>>, %arg3: memref<65536xi32, #tpu.memory_space<hbm>>, %arg4: memref<65536xi32, #tpu.memory_space<hbm>>, %arg5: memref<65536xi32, #tpu.memory_space<hbm>>, %arg6: memref<65536x128xf32, #tpu.memory_space<hbm>>, %arg7: memref<65536x128xf32, #tpu.memory_space<hbm>>, %arg8: memref<65536x128xf32, #tpu.memory_space<hbm>>, %arg9: memref<128xi32, #tpu.memory_space<vmem>>, %arg10: memref<128x128xf32, #tpu.memory_space<vmem>>, %arg11: memref<!tpu.dma_semaphore, #tpu.memory_space<semaphore_mem>>) attributes {dimension_semantics = [#tpu.dimension_semantics<core_parallel>, #tpu.dimension_semantics<subcore_parallel>], iteration_bounds = array<i64: 2, 16>, scalar_prefetch = 0 : i64, scratch_operands = 3 : i64, tpu.core_type = #tpu.core_type<sc_vector_subcore>, window_params = [{transform_indices = #map}, {transform_indices = #map1}, {transform_indices = #map1}, {transform_indices = #map1}, {transform_indices = #map}, {transform_indices = #map}, {transform_indices = #map}]} {
    %mul3A = arith.constant 2 : i32
    %mul3A_0 = arith.muli %arg1, %mul3A : i32
    %add3A = arith.addi %mul3A_0, %arg0 : i32
    %scan3A = arith.constant 0 : i32
    %scan3A_1 = arith.constant 0 : i32
    %scan3A_2 = arith.constant 16 : i32
    %scan3A_3 = arith.addi %scan3A_1, %scan3A_2 : i32
    %scan3A_4 = arith.constant 1 : i32
    scf.for %scan3A_18 = %scan3A_1 to %scan3A_3 step %scan3A_4  : i32 {
      %mul3A_19 = arith.constant 16 : i32
      %mul3A_20 = arith.muli %add3A, %mul3A_19 : i32
      %mul3A_21 = arith.constant 128 : i32
      %mul3A_22 = arith.muli %mul3A_20, %mul3A_21 : i32
      %mul3A_23 = arith.constant 128 : i32
      %mul3A_24 = arith.muli %scan3A_18, %mul3A_23 : i32
      %add3A_25 = arith.addi %mul3A_22, %mul3A_24 : i32
      "tpu.region"() ({
        %run_scoped3A = tpu.sem_alloc : memref<!tpu.dma_semaphore, #tpu.memory_space<semaphore_mem>>
        %dma_start3A_35 = tpu.memref_slice %arg3[%add3A_25] : memref<65536xi32, #tpu.memory_space<hbm>> -> memref<128xi32, #tpu.memory_space<hbm>>
        %dma_start3A_36 = tpu.memref_slice %arg3[%add3A_25] : memref<65536xi32, #tpu.memory_space<hbm>> -> memref<128xi32, #tpu.memory_space<hbm>>
        tpu.enqueue_dma source(%dma_start3A_36 : memref<128xi32, #tpu.memory_space<hbm>>) target(%arg9 : memref<128xi32, #tpu.memory_space<vmem>>) target_semaphore(%run_scoped3A : memref<!tpu.dma_semaphore, #tpu.memory_space<semaphore_mem>>)
        %dma_wait3A_37 = tpu.memref_slice %arg3[%add3A_25] : memref<65536xi32, #tpu.memory_space<hbm>> -> memref<128xi32, #tpu.memory_space<hbm>>
        %dma_wait3A_38 = tpu.memref_slice %arg3[%add3A_25] : memref<65536xi32, #tpu.memory_space<hbm>> -> memref<128xi32, #tpu.memory_space<hbm>>
        tpu.wait_dma2 semaphore(%run_scoped3A : memref<!tpu.dma_semaphore, #tpu.memory_space<semaphore_mem>>) src(%dma_wait3A_38 : memref<128xi32, #tpu.memory_space<hbm>>) dst(%arg9 : memref<128xi32, #tpu.memory_space<vmem>>)
        tpu.yield
      }) : () -> ()
      %dma_start3A = arith.constant 0 : i32
      %dma_start3A_26 = arith.constant 0 : i32
      %dma_start3A_27 = tpu.memref_slice %arg2[%dma_start3A, %dma_start3A_26] : memref<100000x128xf32, #tpu.memory_space<hbm>> -> memref<100000x128xf32, #tpu.memory_space<hbm>>
      tpu.enqueue_indirect_dma source(%dma_start3A_27 : memref<100000x128xf32, #tpu.memory_space<hbm>>) target(%arg10 : memref<128x128xf32, #tpu.memory_space<vmem>>) offsets(%arg9 : memref<128xi32, #tpu.memory_space<vmem>>) semaphore(%arg11 : memref<!tpu.dma_semaphore, #tpu.memory_space<semaphore_mem>>)
      %dma_wait3A = arith.constant 0 : i32
      %dma_wait3A_28 = arith.constant 0 : i32
      %dma_wait3A_29 = tpu.memref_slice %arg2[%dma_wait3A, %dma_wait3A_28] : memref<100000x128xf32, #tpu.memory_space<hbm>> -> memref<100000x128xf32, #tpu.memory_space<hbm>>
      tpu.wait_indirect_dma semaphore(%arg11 : memref<!tpu.dma_semaphore, #tpu.memory_space<semaphore_mem>>) src(%dma_wait3A_29 : memref<100000x128xf32, #tpu.memory_space<hbm>>) dst(%arg10 : memref<128x128xf32, #tpu.memory_space<vmem>>)
      %mul3A_30 = arith.constant 4096 : i32
      %mul3A_31 = arith.muli %scan3A_18, %mul3A_30 : i32
      %mul3A_32 = arith.constant 128 : i32
      %mul3A_33 = arith.muli %add3A, %mul3A_32 : i32
      %add3A_34 = arith.addi %mul3A_31, %mul3A_33 : i32
      "tpu.region"() ({
        %run_scoped3A = tpu.sem_alloc : memref<!tpu.dma_semaphore, #tpu.memory_space<semaphore_mem>>
        %dma_start3A_35 = arith.constant 0 : i32
        %dma_start3A_36 = tpu.memref_slice %arg6[%add3A_34, %dma_start3A_35] : memref<65536x128xf32, #tpu.memory_space<hbm>> -> memref<128x128xf32, #tpu.memory_space<hbm>>
        %dma_start3A_37 = arith.constant 0 : i32
        %dma_start3A_38 = tpu.memref_slice %arg6[%add3A_34, %dma_start3A_37] : memref<65536x128xf32, #tpu.memory_space<hbm>> -> memref<128x128xf32, #tpu.memory_space<hbm>>
        tpu.enqueue_dma source(%arg10 : memref<128x128xf32, #tpu.memory_space<vmem>>) target(%dma_start3A_38 : memref<128x128xf32, #tpu.memory_space<hbm>>) target_semaphore(%run_scoped3A : memref<!tpu.dma_semaphore, #tpu.memory_space<semaphore_mem>>)
        %dma_wait3A_39 = arith.constant 0 : i32
        %dma_wait3A_40 = tpu.memref_slice %arg6[%add3A_34, %dma_wait3A_39] : memref<65536x128xf32, #tpu.memory_space<hbm>> -> memref<128x128xf32, #tpu.memory_space<hbm>>
        %dma_wait3A_41 = arith.constant 0 : i32
        %dma_wait3A_42 = tpu.memref_slice %arg6[%add3A_34, %dma_wait3A_41] : memref<65536x128xf32, #tpu.memory_space<hbm>> -> memref<128x128xf32, #tpu.memory_space<hbm>>
        tpu.wait_dma2 semaphore(%run_scoped3A : memref<!tpu.dma_semaphore, #tpu.memory_space<semaphore_mem>>) src(%arg10 : memref<128x128xf32, #tpu.memory_space<vmem>>) dst(%dma_wait3A_42 : memref<128x128xf32, #tpu.memory_space<hbm>>)
        tpu.yield
      }) : () -> ()
    }
    %scan3A_5 = arith.constant 16 : i32
    %scan3A_6 = arith.constant 0 : i32
    %scan3A_7 = arith.constant 0 : i32
    %scan3A_8 = arith.constant 16 : i32
    %scan3A_9 = arith.addi %scan3A_7, %scan3A_8 : i32
    %scan3A_10 = arith.constant 1 : i32
    scf.for %scan3A_18 = %scan3A_7 to %scan3A_9 step %scan3A_10  : i32 {
      %mul3A_19 = arith.constant 16 : i32
      %mul3A_20 = arith.muli %add3A, %mul3A_19 : i32
      %mul3A_21 = arith.constant 128 : i32
      %mul3A_22 = arith.muli %mul3A_20, %mul3A_21 : i32
      %mul3A_23 = arith.constant 128 : i32
      %mul3A_24 = arith.muli %scan3A_18, %mul3A_23 : i32
      %add3A_25 = arith.addi %mul3A_22, %mul3A_24 : i32
      "tpu.region"() ({
        %run_scoped3A = tpu.sem_alloc : memref<!tpu.dma_semaphore, #tpu.memory_space<semaphore_mem>>
        %dma_start3A_35 = tpu.memref_slice %arg4[%add3A_25] : memref<65536xi32, #tpu.memory_space<hbm>> -> memref<128xi32, #tpu.memory_space<hbm>>
        %dma_start3A_36 = tpu.memref_slice %arg4[%add3A_25] : memref<65536xi32, #tpu.memory_space<hbm>> -> memref<128xi32, #tpu.memory_space<hbm>>
        tpu.enqueue_dma source(%dma_start3A_36 : memref<128xi32, #tpu.memory_space<hbm>>) target(%arg9 : memref<128xi32, #tpu.memory_space<vmem>>) target_semaphore(%run_scoped3A : memref<!tpu.dma_semaphore, #tpu.memory_space<semaphore_mem>>)
        %dma_wait3A_37 = tpu.memref_slice %arg4[%add3A_25] : memref<65536xi32, #tpu.memory_space<hbm>> -> memref<128xi32, #tpu.memory_space<hbm>>
        %dma_wait3A_38 = tpu.memref_slice %arg4[%add3A_25] : memref<65536xi32, #tpu.memory_space<hbm>> -> memref<128xi32, #tpu.memory_space<hbm>>
        tpu.wait_dma2 semaphore(%run_scoped3A : memref<!tpu.dma_semaphore, #tpu.memory_space<semaphore_mem>>) src(%dma_wait3A_38 : memref<128xi32, #tpu.memory_space<hbm>>) dst(%arg9 : memref<128xi32, #tpu.memory_space<vmem>>)
        tpu.yield
      }) : () -> ()
      %dma_start3A = arith.constant 0 : i32
      %dma_start3A_26 = arith.constant 0 : i32
      %dma_start3A_27 = tpu.memref_slice %arg2[%dma_start3A, %dma_start3A_26] : memref<100000x128xf32, #tpu.memory_space<hbm>> -> memref<100000x128xf32, #tpu.memory_space<hbm>>
      tpu.enqueue_indirect_dma source(%dma_start3A_27 : memref<100000x128xf32, #tpu.memory_space<hbm>>) target(%arg10 : memref<128x128xf32, #tpu.memory_space<vmem>>) offsets(%arg9 : memref<128xi32, #tpu.memory_space<vmem>>) semaphore(%arg11 : memref<!tpu.dma_semaphore, #tpu.memory_space<semaphore_mem>>)
      %dma_wait3A = arith.constant 0 : i32
      %dma_wait3A_28 = arith.constant 0 : i32
      %dma_wait3A_29 = tpu.memref_slice %arg2[%dma_wait3A, %dma_wait3A_28] : memref<100000x128xf32, #tpu.memory_space<hbm>> -> memref<100000x128xf32, #tpu.memory_space<hbm>>
      tpu.wait_indirect_dma semaphore(%arg11 : memref<!tpu.dma_semaphore, #tpu.memory_space<semaphore_mem>>) src(%dma_wait3A_29 : memref<100000x128xf32, #tpu.memory_space<hbm>>) dst(%arg10 : memref<128x128xf32, #tpu.memory_space<vmem>>)
      %mul3A_30 = arith.constant 4096 : i32
      %mul3A_31 = arith.muli %scan3A_18, %mul3A_30 : i32
      %mul3A_32 = arith.constant 128 : i32
      %mul3A_33 = arith.muli %add3A, %mul3A_32 : i32
      %add3A_34 = arith.addi %mul3A_31, %mul3A_33 : i32
      "tpu.region"() ({
        %run_scoped3A = tpu.sem_alloc : memref<!tpu.dma_semaphore, #tpu.memory_space<semaphore_mem>>
        %dma_start3A_35 = arith.constant 0 : i32
        %dma_start3A_36 = tpu.memref_slice %arg7[%add3A_34, %dma_start3A_35] : memref<65536x128xf32, #tpu.memory_space<hbm>> -> memref<128x128xf32, #tpu.memory_space<hbm>>
        %dma_start3A_37 = arith.constant 0 : i32
        %dma_start3A_38 = tpu.memref_slice %arg7[%add3A_34, %dma_start3A_37] : memref<65536x128xf32, #tpu.memory_space<hbm>> -> memref<128x128xf32, #tpu.memory_space<hbm>>
        tpu.enqueue_dma source(%arg10 : memref<128x128xf32, #tpu.memory_space<vmem>>) target(%dma_start3A_38 : memref<128x128xf32, #tpu.memory_space<hbm>>) target_semaphore(%run_scoped3A : memref<!tpu.dma_semaphore, #tpu.memory_space<semaphore_mem>>)
        %dma_wait3A_39 = arith.constant 0 : i32
        %dma_wait3A_40 = tpu.memref_slice %arg7[%add3A_34, %dma_wait3A_39] : memref<65536x128xf32, #tpu.memory_space<hbm>> -> memref<128x128xf32, #tpu.memory_space<hbm>>
        %dma_wait3A_41 = arith.constant 0 : i32
        %dma_wait3A_42 = tpu.memref_slice %arg7[%add3A_34, %dma_wait3A_41] : memref<65536x128xf32, #tpu.memory_space<hbm>> -> memref<128x128xf32, #tpu.memory_space<hbm>>
        tpu.wait_dma2 semaphore(%run_scoped3A : memref<!tpu.dma_semaphore, #tpu.memory_space<semaphore_mem>>) src(%arg10 : memref<128x128xf32, #tpu.memory_space<vmem>>) dst(%dma_wait3A_42 : memref<128x128xf32, #tpu.memory_space<hbm>>)
        tpu.yield
      }) : () -> ()
    }
    %scan3A_11 = arith.constant 16 : i32
    %scan3A_12 = arith.constant 0 : i32
    %scan3A_13 = arith.constant 0 : i32
    %scan3A_14 = arith.constant 16 : i32
    %scan3A_15 = arith.addi %scan3A_13, %scan3A_14 : i32
    %scan3A_16 = arith.constant 1 : i32
    scf.for %scan3A_18 = %scan3A_13 to %scan3A_15 step %scan3A_16  : i32 {
      %mul3A_19 = arith.constant 16 : i32
      %mul3A_20 = arith.muli %add3A, %mul3A_19 : i32
      %mul3A_21 = arith.constant 128 : i32
      %mul3A_22 = arith.muli %mul3A_20, %mul3A_21 : i32
      %mul3A_23 = arith.constant 128 : i32
      %mul3A_24 = arith.muli %scan3A_18, %mul3A_23 : i32
      %add3A_25 = arith.addi %mul3A_22, %mul3A_24 : i32
      "tpu.region"() ({
        %run_scoped3A = tpu.sem_alloc : memref<!tpu.dma_semaphore, #tpu.memory_space<semaphore_mem>>
        %dma_start3A_35 = tpu.memref_slice %arg5[%add3A_25] : memref<65536xi32, #tpu.memory_space<hbm>> -> memref<128xi32, #tpu.memory_space<hbm>>
        %dma_start3A_36 = tpu.memref_slice %arg5[%add3A_25] : memref<65536xi32, #tpu.memory_space<hbm>> -> memref<128xi32, #tpu.memory_space<hbm>>
        tpu.enqueue_dma source(%dma_start3A_36 : memref<128xi32, #tpu.memory_space<hbm>>) target(%arg9 : memref<128xi32, #tpu.memory_space<vmem>>) target_semaphore(%run_scoped3A : memref<!tpu.dma_semaphore, #tpu.memory_space<semaphore_mem>>)
        %dma_wait3A_37 = tpu.memref_slice %arg5[%add3A_25] : memref<65536xi32, #tpu.memory_space<hbm>> -> memref<128xi32, #tpu.memory_space<hbm>>
        %dma_wait3A_38 = tpu.memref_slice %arg5[%add3A_25] : memref<65536xi32, #tpu.memory_space<hbm>> -> memref<128xi32, #tpu.memory_space<hbm>>
        tpu.wait_dma2 semaphore(%run_scoped3A : memref<!tpu.dma_semaphore, #tpu.memory_space<semaphore_mem>>) src(%dma_wait3A_38 : memref<128xi32, #tpu.memory_space<hbm>>) dst(%arg9 : memref<128xi32, #tpu.memory_space<vmem>>)
        tpu.yield
      }) : () -> ()
      %dma_start3A = arith.constant 0 : i32
      %dma_start3A_26 = arith.constant 0 : i32
      %dma_start3A_27 = tpu.memref_slice %arg2[%dma_start3A, %dma_start3A_26] : memref<100000x128xf32, #tpu.memory_space<hbm>> -> memref<100000x128xf32, #tpu.memory_space<hbm>>
      tpu.enqueue_indirect_dma source(%dma_start3A_27 : memref<100000x128xf32, #tpu.memory_space<hbm>>) target(%arg10 : memref<128x128xf32, #tpu.memory_space<vmem>>) offsets(%arg9 : memref<128xi32, #tpu.memory_space<vmem>>) semaphore(%arg11 : memref<!tpu.dma_semaphore, #tpu.memory_space<semaphore_mem>>)
      %dma_wait3A = arith.constant 0 : i32
      %dma_wait3A_28 = arith.constant 0 : i32
      %dma_wait3A_29 = tpu.memref_slice %arg2[%dma_wait3A, %dma_wait3A_28] : memref<100000x128xf32, #tpu.memory_space<hbm>> -> memref<100000x128xf32, #tpu.memory_space<hbm>>
      tpu.wait_indirect_dma semaphore(%arg11 : memref<!tpu.dma_semaphore, #tpu.memory_space<semaphore_mem>>) src(%dma_wait3A_29 : memref<100000x128xf32, #tpu.memory_space<hbm>>) dst(%arg10 : memref<128x128xf32, #tpu.memory_space<vmem>>)
      %mul3A_30 = arith.constant 4096 : i32
      %mul3A_31 = arith.muli %scan3A_18, %mul3A_30 : i32
      %mul3A_32 = arith.constant 128 : i32
      %mul3A_33 = arith.muli %add3A, %mul3A_32 : i32
      %add3A_34 = arith.addi %mul3A_31, %mul3A_33 : i32
      "tpu.region"() ({
        %run_scoped3A = tpu.sem_alloc : memref<!tpu.dma_semaphore, #tpu.memory_space<semaphore_mem>>
        %dma_start3A_35 = arith.constant 0 : i32
        %dma_start3A_36 = tpu.memref_slice %arg8[%add3A_34, %dma_start3A_35] : memref<65536x128xf32, #tpu.memory_space<hbm>> -> memref<128x128xf32, #tpu.memory_space<hbm>>
        %dma_start3A_37 = arith.constant 0 : i32
        %dma_start3A_38 = tpu.memref_slice %arg8[%add3A_34, %dma_start3A_37] : memref<65536x128xf32, #tpu.memory_space<hbm>> -> memref<128x128xf32, #tpu.memory_space<hbm>>
        tpu.enqueue_dma source(%arg10 : memref<128x128xf32, #tpu.memory_space<vmem>>) target(%dma_start3A_38 : memref<128x128xf32, #tpu.memory_space<hbm>>) target_semaphore(%run_scoped3A : memref<!tpu.dma_semaphore, #tpu.memory_space<semaphore_mem>>)
        %dma_wait3A_39 = arith.constant 0 : i32
        %dma_wait3A_40 = tpu.memref_slice %arg8[%add3A_34, %dma_wait3A_39] : memref<65536x128xf32, #tpu.memory_space<hbm>> -> memref<128x128xf32, #tpu.memory_space<hbm>>
        %dma_wait3A_41 = arith.constant 0 : i32
        %dma_wait3A_42 = tpu.memref_slice %arg8[%add3A_34, %dma_wait3A_41] : memref<65536x128xf32, #tpu.memory_space<hbm>> -> memref<128x128xf32, #tpu.memory_space<hbm>>
        tpu.wait_dma2 semaphore(%run_scoped3A : memref<!tpu.dma_semaphore, #tpu.memory_space<semaphore_mem>>) src(%arg10 : memref<128x128xf32, #tpu.memory_space<vmem>>) dst(%dma_wait3A_42 : memref<128x128xf32, #tpu.memory_space<hbm>>)
        tpu.yield
      }) : () -> ()
    }
    %scan3A_17 = arith.constant 16 : i32
    return
  }
}

module attributes {stable_mosaic.version = 14 : i64} {
  func.func @_scores_body(%arg0: i32, %arg1: memref<2000x128xf32, #tpu.memory_space<vmem>>, %arg2: memref<128x16xf32, #tpu.memory_space<vmem>>, %arg3: memref<8x16xf32, #tpu.memory_space<vmem>>, %arg4: memref<2000x16xf32, #tpu.memory_space<vmem>>) attributes {dimension_semantics = [#tpu.dimension_semantics<arbitrary>], iteration_bounds = array<i64: 50>, scalar_prefetch = 0 : i64, scratch_operands = 0 : i64, tpu.core_type = #tpu.core_type<tc>, window_params = [{transform_indices = @transform_0, window_bounds = array<i64: 2000, 128>}, {pipeline_mode = #tpu.pipeline_mode<synchronous>, transform_indices = @transform_1, window_bounds = array<i64: 128, 16>}, {pipeline_mode = #tpu.pipeline_mode<synchronous>, transform_indices = @transform_2, window_bounds = array<i64: 8, 16>}, {transform_indices = @transform_3, window_bounds = array<i64: 2000, 16>}]} {
    %get3A = arith.constant 0 : index
    %get3A_0 = arith.constant 0 : index
    %get3A_1 = vector.load %arg1[%get3A, %get3A_0] : memref<2000x128xf32, #tpu.memory_space<vmem>>, vector<2000x128xf32>
    %get3A_2 = arith.constant 0 : index
    %get3A_3 = arith.constant 0 : index
    %get3A_4 = vector.load %arg2[%get3A_2, %get3A_3] : memref<128x16xf32, #tpu.memory_space<vmem>>, vector<128x16xf32>
    %dot_general3A = arith.constant dense<0.000000e+00> : vector<2000x16xf32>
    %dot_general3A_5 = tpu.matmul %get3A_1, %get3A_4, %dot_general3A {dimension_numbers = #tpu.dot_dimension_numbers<[1], [0], [0], [1], [0, 0, 1, 1], [], []>, transpose_lhs_hint = false} : vector<2000x128xf32>, vector<128x16xf32>, vector<2000x16xf32> -> vector<2000x16xf32>
    %get3A_6 = arith.constant 0 : index
    %get3A_7 = arith.constant 0 : index
    %get3A_8 = vector.load %arg3[%get3A_6, %get3A_7] : memref<8x16xf32, #tpu.memory_space<vmem>>, vector<1x16xf32>
    %add3A = vector.broadcast %get3A_8 : vector<1x16xf32> to vector<2000x16xf32>
    %add3A_9 = arith.addf %dot_general3A_5, %add3A : vector<2000x16xf32>
    %swap3A = arith.constant 0 : index
    %swap3A_10 = arith.constant 0 : index
    %swap3A_11 = vector.load %arg4[%swap3A, %swap3A_10] : memref<2000x16xf32, #tpu.memory_space<vmem>>, vector<2000x16xf32>
    tpu.vector_store %arg4[%swap3A, %swap3A_10], %add3A_9 {strides = array<i32>} : memref<2000x16xf32, #tpu.memory_space<vmem>>, vector<2000x16xf32>,
    return
  }
  func.func @transform_0(%arg0: i32) -> (i32, i32) {
    %c0_i32 = arith.constant 0 : i32
    %c0_i32_0 = arith.constant 0 : i32
    return %arg0, %c0_i32 : i32, i32
  }
  func.func @transform_1(%arg0: i32) -> (i32, i32) {
    %c0_i32 = arith.constant 0 : i32
    %c0_i32_0 = arith.constant 0 : i32
    %c0_i32_1 = arith.constant 0 : i32
    return %c0_i32, %c0_i32_0 : i32, i32
  }
  func.func @transform_2(%arg0: i32) -> (i32, i32) {
    %c0_i32 = arith.constant 0 : i32
    %c0_i32_0 = arith.constant 0 : i32
    %c0_i32_1 = arith.constant 0 : i32
    return %c0_i32, %c0_i32_0 : i32, i32
  }
  func.func @transform_3(%arg0: i32) -> (i32, i32) {
    %c0_i32 = arith.constant 0 : i32
    %c0_i32_0 = arith.constant 0 : i32
    return %arg0, %c0_i32 : i32, i32
  }
}

module attributes {stable_mosaic.version = 14 : i64} {
  func.func @_select_body(%arg0: i32, %arg1: memref<128x16xf32, #tpu.memory_space<vmem>>, %arg2: memref<128x512xf32, #tpu.memory_space<vmem>>, %arg3: memref<128x512xf32, #tpu.memory_space<vmem>>, %arg4: memref<128x512xf32, #tpu.memory_space<vmem>>, %arg5: memref<128x32xi32, #tpu.memory_space<vmem>>, %arg6: memref<128x32xi32, #tpu.memory_space<vmem>>, %arg7: memref<128x32xi32, #tpu.memory_space<vmem>>, %arg8: memref<1x16x128xi32, #tpu.memory_space<vmem>>, %arg9: memref<1x16x128xi32, #tpu.memory_space<vmem>>, %arg10: memref<1x16x128xi32, #tpu.memory_space<vmem>>) attributes {dimension_semantics = [#tpu.dimension_semantics<arbitrary>], iteration_bounds = array<i64: 32>, scalar_prefetch = 0 : i64, scratch_operands = 0 : i64, tpu.core_type = #tpu.core_type<tc>, window_params = [{transform_indices = @transform_0, window_bounds = array<i64: 128, 16>}, {transform_indices = @transform_1, window_bounds = array<i64: 128, 512>}, {transform_indices = @transform_2, window_bounds = array<i64: 128, 512>}, {transform_indices = @transform_3, window_bounds = array<i64: 128, 512>}, {transform_indices = @transform_4, window_bounds = array<i64: 128, 32>}, {transform_indices = @transform_5, window_bounds = array<i64: 128, 32>}, {transform_indices = @transform_6, window_bounds = array<i64: 128, 32>}, {transform_indices = @transform_7, window_bounds = array<i64: 1, 16, 128>}, {transform_indices = @transform_8, window_bounds = array<i64: 1, 16, 128>}, {transform_indices = @transform_9, window_bounds = array<i64: 1, 16, 128>}]} {
    %get3A = arith.constant 0 : index
    %get3A_0 = arith.constant 0 : index
    %get3A_1 = vector.load %arg1[%get3A, %get3A_0] : memref<128x16xf32, #tpu.memory_space<vmem>>, vector<128x16xf32>
    %broadcast_in_dim3A = vector.shape_cast %get3A_1 : vector<128x16xf32> to vector<128x1x16xf32>
    %broadcast_in_dim3A_2 = vector.shape_cast %broadcast_in_dim3A : vector<128x1x16xf32> to vector<128x1x16xf32>
    %broadcast_in_dim3A_3 = vector.broadcast %broadcast_in_dim3A_2 : vector<128x1x16xf32> to vector<128x32x16xf32>
    %reshape3A = vector.shape_cast %broadcast_in_dim3A_3 : vector<128x32x16xf32> to vector<128x512xf32>
    %iota3A = tpu.iota {dimensions = array<i32: 0>} : vector<512x32xi32>
    %jit3A = arith.constant 16 : i32
    %div3A = vector.broadcast %jit3A : i32 to vector<512x32xi32>
    %div3A_4 = arith.divsi %iota3A, %div3A : vector<512x32xi32>
    %sign3A = arith.constant 0 : i32
    %sign3A_5 = vector.broadcast %sign3A : i32 to vector<512x32xi32>
    %sign3A_6 = arith.cmpi sgt, %iota3A, %sign3A_5 : vector<512x32xi32>
    %sign3A_7 = arith.extui %sign3A_6 : vector<512x32xi1> to vector<512x32xi32>
    %sign3A_8 = arith.constant 0 : i32
    %sign3A_9 = vector.broadcast %sign3A_8 : i32 to vector<512x32xi32>
    %sign3A_10 = arith.cmpi slt, %iota3A, %sign3A_9 : vector<512x32xi32>
    %sign3A_11 = arith.extui %sign3A_10 : vector<512x32xi1> to vector<512x32xi32>
    %sign3A_12 = arith.subi %sign3A_7, %sign3A_11 : vector<512x32xi32>
    %sign3A_13 = arith.constant 0 : i32
    %sign3A_14 = arith.cmpi sgt, %jit3A, %sign3A_13 : i32
    %sign3A_15 = arith.extui %sign3A_14 : i1 to i32
    %sign3A_16 = arith.constant 0 : i32
    %sign3A_17 = arith.cmpi slt, %jit3A, %sign3A_16 : i32
    %sign3A_18 = arith.extui %sign3A_17 : i1 to i32
    %sign3A_19 = arith.subi %sign3A_15, %sign3A_18 : i32
    %ne3A = vector.broadcast %sign3A_19 : i32 to vector<512x32xi32>
    %ne3A_20 = arith.cmpi ne, %sign3A_12, %ne3A : vector<512x32xi32>
    %rem3A = vector.broadcast %jit3A : i32 to vector<512x32xi32>
    %rem3A_21 = arith.remsi %iota3A, %rem3A : vector<512x32xi32>
    %ne3A_22 = arith.constant 0 : i32
    %ne3A_23 = vector.broadcast %ne3A_22 : i32 to vector<512x32xi32>
    %ne3A_24 = arith.cmpi ne, %rem3A_21, %ne3A_23 : vector<512x32xi32>
    %and3A = arith.andi %ne3A_20, %ne3A_24 : vector<512x32xi1>
    %sub3A = arith.constant 1 : i32
    %sub3A_25 = vector.broadcast %sub3A : i32 to vector<512x32xi32>
    %sub3A_26 = arith.subi %div3A_4, %sub3A_25 : vector<512x32xi32>
    %select_n3A = arith.select %and3A, %sub3A_26, %div3A_4 : vector<512x32xi1>, vector<512x32xi32>
    %iota3A_27 = tpu.iota {dimensions = array<i32: 1>} : vector<512x32xi32>
    %eq3A = arith.cmpi eq, %select_n3A, %iota3A_27 : vector<512x32xi32>
    %convert_element_type3A = arith.extui %eq3A : vector<512x32xi1> to vector<512x32xi32>
    %convert_element_type3A_28 = arith.sitofp %convert_element_type3A : vector<512x32xi32> to vector<512x32xf32>
    %iota3A_29 = tpu.iota {dimensions = array<i32: 2>} : vector<128x32x32xi32>
    %iota3A_30 = tpu.iota {dimensions = array<i32: 1>} : vector<128x32x32xi32>
    %get3A_31 = arith.constant 0 : index
    %get3A_32 = arith.constant 0 : index
    %get3A_33 = vector.load %arg2[%get3A_31, %get3A_32] : memref<128x512xf32, #tpu.memory_space<vmem>>, vector<128x512xf32>
    %sub3A_34 = arith.subf %get3A_33, %reshape3A : vector<128x512xf32>
    %abs3A = math.absf %sub3A_34 : vector<128x512xf32>
    %dot_general3A = arith.constant dense<0.000000e+00> : vector<128x32xf32>
    %dot_general3A_35 = tpu.matmul %abs3A, %convert_element_type3A_28, %dot_general3A {dimension_numbers = #tpu.dot_dimension_numbers<[1], [0], [0], [1], [0, 0, 1, 1], [], []>, precision = #tpu.contract_precision<fp32>, transpose_lhs_hint = false} : vector<128x512xf32>, vector<512x32xf32>, vector<128x32xf32> -> vector<128x32xf32>
    %broadcast_in_dim3A_36 = vector.shape_cast %dot_general3A_35 : vector<128x32xf32> to vector<128x1x32xf32>
    %broadcast_in_dim3A_37 = vector.shape_cast %dot_general3A_35 : vector<128x32xf32> to vector<128x32x1xf32>
    %lt3A = vector.broadcast %broadcast_in_dim3A_36 : vector<128x1x32xf32> to vector<128x32x32xf32>
    %lt3A_38 = vector.broadcast %broadcast_in_dim3A_37 : vector<128x32x1xf32> to vector<128x32x32xf32>
    %lt3A_39 = arith.cmpf olt, %lt3A, %lt3A_38 : vector<128x32x32xf32>
    %eq3A_40 = vector.broadcast %broadcast_in_dim3A_36 : vector<128x1x32xf32> to vector<128x32x32xf32>
    %eq3A_41 = vector.broadcast %broadcast_in_dim3A_37 : vector<128x32x1xf32> to vector<128x32x32xf32>
    %eq3A_42 = arith.cmpf oeq, %eq3A_40, %eq3A_41 : vector<128x32x32xf32>
    %lt3A_43 = arith.cmpi slt, %iota3A_29, %iota3A_30 : vector<128x32x32xi32>
    %and3A_44 = arith.andi %eq3A_42, %lt3A_43 : vector<128x32x32xi1>
    %or3A = arith.ori %lt3A_39, %and3A_44 : vector<128x32x32xi1>
    %convert_element_type3A_45 = arith.extui %or3A : vector<128x32x32xi1> to vector<128x32x32xi32>
    %reduce_sum3A = arith.constant dense<0> : vector<128x32xi32>
    %reduce_sum3A_46 = vector.multi_reduction <add>, %convert_element_type3A_45, %reduce_sum3A [2] : vector<128x32x32xi32> to vector<128x32xi32>
    %get3A_47 = arith.constant 0 : index
    %get3A_48 = arith.constant 0 : index
    %get3A_49 = vector.load %arg5[%get3A_47, %get3A_48] : memref<128x32xi32, #tpu.memory_space<vmem>>, vector<128x32xi32>
    %eq3A_50 = arith.constant 0 : i32
    %eq3A_51 = vector.broadcast %eq3A_50 : i32 to vector<128x32xi32>
    %eq3A_52 = arith.cmpi eq, %reduce_sum3A_46, %eq3A_51 : vector<128x32xi32>
    %jit3A_53 = arith.constant 0 : i32
    %broadcast_in_dim3A_54 = vector.broadcast %jit3A_53 : i32 to vector<128x32xi32>
    %select_n3A_55 = arith.select %eq3A_52, %get3A_49, %broadcast_in_dim3A_54 : vector<128x32xi1>, vector<128x32xi32>
    %reduce_sum3A_56 = arith.constant dense<0> : vector<128xi32>
    %reduce_sum3A_57 = vector.multi_reduction <add>, %select_n3A_55, %reduce_sum3A_56 [1] : vector<128x32xi32> to vector<128xi32>
    %eq3A_58 = arith.constant 1 : i32
    %eq3A_59 = vector.broadcast %eq3A_58 : i32 to vector<128x32xi32>
    %eq3A_60 = arith.cmpi eq, %reduce_sum3A_46, %eq3A_59 : vector<128x32xi32>
    %jit3A_61 = arith.constant 0 : i32
    %broadcast_in_dim3A_62 = vector.broadcast %jit3A_61 : i32 to vector<128x32xi32>
    %select_n3A_63 = arith.select %eq3A_60, %get3A_49, %broadcast_in_dim3A_62 : vector<128x32xi1>, vector<128x32xi32>
    %reduce_sum3A_64 = arith.constant dense<0> : vector<128xi32>
    %reduce_sum3A_65 = vector.multi_reduction <add>, %select_n3A_63, %reduce_sum3A_64 [1] : vector<128x32xi32> to vector<128xi32>
    %eq3A_66 = arith.constant 2 : i32
    %eq3A_67 = vector.broadcast %eq3A_66 : i32 to vector<128x32xi32>
    %eq3A_68 = arith.cmpi eq, %reduce_sum3A_46, %eq3A_67 : vector<128x32xi32>
    %jit3A_69 = arith.constant 0 : i32
    %broadcast_in_dim3A_70 = vector.broadcast %jit3A_69 : i32 to vector<128x32xi32>
    %select_n3A_71 = arith.select %eq3A_68, %get3A_49, %broadcast_in_dim3A_70 : vector<128x32xi1>, vector<128x32xi32>
    %reduce_sum3A_72 = arith.constant dense<0> : vector<128xi32>
    %reduce_sum3A_73 = vector.multi_reduction <add>, %select_n3A_71, %reduce_sum3A_72 [1] : vector<128x32xi32> to vector<128xi32>
    %eq3A_74 = arith.constant 3 : i32
    %eq3A_75 = vector.broadcast %eq3A_74 : i32 to vector<128x32xi32>
    %eq3A_76 = arith.cmpi eq, %reduce_sum3A_46, %eq3A_75 : vector<128x32xi32>
    %jit3A_77 = arith.constant 0 : i32
    %broadcast_in_dim3A_78 = vector.broadcast %jit3A_77 : i32 to vector<128x32xi32>
    %select_n3A_79 = arith.select %eq3A_76, %get3A_49, %broadcast_in_dim3A_78 : vector<128x32xi1>, vector<128x32xi32>
    %reduce_sum3A_80 = arith.constant dense<0> : vector<128xi32>
    %reduce_sum3A_81 = vector.multi_reduction <add>, %select_n3A_79, %reduce_sum3A_80 [1] : vector<128x32xi32> to vector<128xi32>
    %eq3A_82 = arith.constant 4 : i32
    %eq3A_83 = vector.broadcast %eq3A_82 : i32 to vector<128x32xi32>
    %eq3A_84 = arith.cmpi eq, %reduce_sum3A_46, %eq3A_83 : vector<128x32xi32>
    %jit3A_85 = arith.constant 0 : i32
    %broadcast_in_dim3A_86 = vector.broadcast %jit3A_85 : i32 to vector<128x32xi32>
    %select_n3A_87 = arith.select %eq3A_84, %get3A_49, %broadcast_in_dim3A_86 : vector<128x32xi1>, vector<128x32xi32>
    %reduce_sum3A_88 = arith.constant dense<0> : vector<128xi32>
    %reduce_sum3A_89 = vector.multi_reduction <add>, %select_n3A_87, %reduce_sum3A_88 [1] : vector<128x32xi32> to vector<128xi32>
    %eq3A_90 = arith.constant 5 : i32
    %eq3A_91 = vector.broadcast %eq3A_90 : i32 to vector<128x32xi32>
    %eq3A_92 = arith.cmpi eq, %reduce_sum3A_46, %eq3A_91 : vector<128x32xi32>
    %jit3A_93 = arith.constant 0 : i32
    %broadcast_in_dim3A_94 = vector.broadcast %jit3A_93 : i32 to vector<128x32xi32>
    %select_n3A_95 = arith.select %eq3A_92, %get3A_49, %broadcast_in_dim3A_94 : vector<128x32xi1>, vector<128x32xi32>
    %reduce_sum3A_96 = arith.constant dense<0> : vector<128xi32>
    %reduce_sum3A_97 = vector.multi_reduction <add>, %select_n3A_95, %reduce_sum3A_96 [1] : vector<128x32xi32> to vector<128xi32>
    %eq3A_98 = arith.constant 6 : i32
    %eq3A_99 = vector.broadcast %eq3A_98 : i32 to vector<128x32xi32>
    %eq3A_100 = arith.cmpi eq, %reduce_sum3A_46, %eq3A_99 : vector<128x32xi32>
    %jit3A_101 = arith.constant 0 : i32
    %broadcast_in_dim3A_102 = vector.broadcast %jit3A_101 : i32 to vector<128x32xi32>
    %select_n3A_103 = arith.select %eq3A_100, %get3A_49, %broadcast_in_dim3A_102 : vector<128x32xi1>, vector<128x32xi32>
    %reduce_sum3A_104 = arith.constant dense<0> : vector<128xi32>
    %reduce_sum3A_105 = vector.multi_reduction <add>, %select_n3A_103, %reduce_sum3A_104 [1] : vector<128x32xi32> to vector<128xi32>
    %eq3A_106 = arith.constant 7 : i32
    %eq3A_107 = vector.broadcast %eq3A_106 : i32 to vector<128x32xi32>
    %eq3A_108 = arith.cmpi eq, %reduce_sum3A_46, %eq3A_107 : vector<128x32xi32>
    %jit3A_109 = arith.constant 0 : i32
    %broadcast_in_dim3A_110 = vector.broadcast %jit3A_109 : i32 to vector<128x32xi32>
    %select_n3A_111 = arith.select %eq3A_108, %get3A_49, %broadcast_in_dim3A_110 : vector<128x32xi1>, vector<128x32xi32>
    %reduce_sum3A_112 = arith.constant dense<0> : vector<128xi32>
    %reduce_sum3A_113 = vector.multi_reduction <add>, %select_n3A_111, %reduce_sum3A_112 [1] : vector<128x32xi32> to vector<128xi32>
    %eq3A_114 = arith.constant 8 : i32
    %eq3A_115 = vector.broadcast %eq3A_114 : i32 to vector<128x32xi32>
    %eq3A_116 = arith.cmpi eq, %reduce_sum3A_46, %eq3A_115 : vector<128x32xi32>
    %jit3A_117 = arith.constant 0 : i32
    %broadcast_in_dim3A_118 = vector.broadcast %jit3A_117 : i32 to vector<128x32xi32>
    %select_n3A_119 = arith.select %eq3A_116, %get3A_49, %broadcast_in_dim3A_118 : vector<128x32xi1>, vector<128x32xi32>
    %reduce_sum3A_120 = arith.constant dense<0> : vector<128xi32>
    %reduce_sum3A_121 = vector.multi_reduction <add>, %select_n3A_119, %reduce_sum3A_120 [1] : vector<128x32xi32> to vector<128xi32>
    %eq3A_122 = arith.constant 9 : i32
    %eq3A_123 = vector.broadcast %eq3A_122 : i32 to vector<128x32xi32>
    %eq3A_124 = arith.cmpi eq, %reduce_sum3A_46, %eq3A_123 : vector<128x32xi32>
    %jit3A_125 = arith.constant 0 : i32
    %broadcast_in_dim3A_126 = vector.broadcast %jit3A_125 : i32 to vector<128x32xi32>
    %select_n3A_127 = arith.select %eq3A_124, %get3A_49, %broadcast_in_dim3A_126 : vector<128x32xi1>, vector<128x32xi32>
    %reduce_sum3A_128 = arith.constant dense<0> : vector<128xi32>
    %reduce_sum3A_129 = vector.multi_reduction <add>, %select_n3A_127, %reduce_sum3A_128 [1] : vector<128x32xi32> to vector<128xi32>
    %eq3A_130 = arith.constant 10 : i32
    %eq3A_131 = vector.broadcast %eq3A_130 : i32 to vector<128x32xi32>
    %eq3A_132 = arith.cmpi eq, %reduce_sum3A_46, %eq3A_131 : vector<128x32xi32>
    %jit3A_133 = arith.constant 0 : i32
    %broadcast_in_dim3A_134 = vector.broadcast %jit3A_133 : i32 to vector<128x32xi32>
    %select_n3A_135 = arith.select %eq3A_132, %get3A_49, %broadcast_in_dim3A_134 : vector<128x32xi1>, vector<128x32xi32>
    %reduce_sum3A_136 = arith.constant dense<0> : vector<128xi32>
    %reduce_sum3A_137 = vector.multi_reduction <add>, %select_n3A_135, %reduce_sum3A_136 [1] : vector<128x32xi32> to vector<128xi32>
    %eq3A_138 = arith.constant 11 : i32
    %eq3A_139 = vector.broadcast %eq3A_138 : i32 to vector<128x32xi32>
    %eq3A_140 = arith.cmpi eq, %reduce_sum3A_46, %eq3A_139 : vector<128x32xi32>
    %jit3A_141 = arith.constant 0 : i32
    %broadcast_in_dim3A_142 = vector.broadcast %jit3A_141 : i32 to vector<128x32xi32>
    %select_n3A_143 = arith.select %eq3A_140, %get3A_49, %broadcast_in_dim3A_142 : vector<128x32xi1>, vector<128x32xi32>
    %reduce_sum3A_144 = arith.constant dense<0> : vector<128xi32>
    %reduce_sum3A_145 = vector.multi_reduction <add>, %select_n3A_143, %reduce_sum3A_144 [1] : vector<128x32xi32> to vector<128xi32>
    %eq3A_146 = arith.constant 12 : i32
    %eq3A_147 = vector.broadcast %eq3A_146 : i32 to vector<128x32xi32>
    %eq3A_148 = arith.cmpi eq, %reduce_sum3A_46, %eq3A_147 : vector<128x32xi32>
    %jit3A_149 = arith.constant 0 : i32
    %broadcast_in_dim3A_150 = vector.broadcast %jit3A_149 : i32 to vector<128x32xi32>
    %select_n3A_151 = arith.select %eq3A_148, %get3A_49, %broadcast_in_dim3A_150 : vector<128x32xi1>, vector<128x32xi32>
    %reduce_sum3A_152 = arith.constant dense<0> : vector<128xi32>
    %reduce_sum3A_153 = vector.multi_reduction <add>, %select_n3A_151, %reduce_sum3A_152 [1] : vector<128x32xi32> to vector<128xi32>
    %eq3A_154 = arith.constant 13 : i32
    %eq3A_155 = vector.broadcast %eq3A_154 : i32 to vector<128x32xi32>
    %eq3A_156 = arith.cmpi eq, %reduce_sum3A_46, %eq3A_155 : vector<128x32xi32>
    %jit3A_157 = arith.constant 0 : i32
    %broadcast_in_dim3A_158 = vector.broadcast %jit3A_157 : i32 to vector<128x32xi32>
    %select_n3A_159 = arith.select %eq3A_156, %get3A_49, %broadcast_in_dim3A_158 : vector<128x32xi1>, vector<128x32xi32>
    %reduce_sum3A_160 = arith.constant dense<0> : vector<128xi32>
    %reduce_sum3A_161 = vector.multi_reduction <add>, %select_n3A_159, %reduce_sum3A_160 [1] : vector<128x32xi32> to vector<128xi32>
    %eq3A_162 = arith.constant 14 : i32
    %eq3A_163 = vector.broadcast %eq3A_162 : i32 to vector<128x32xi32>
    %eq3A_164 = arith.cmpi eq, %reduce_sum3A_46, %eq3A_163 : vector<128x32xi32>
    %jit3A_165 = arith.constant 0 : i32
    %broadcast_in_dim3A_166 = vector.broadcast %jit3A_165 : i32 to vector<128x32xi32>
    %select_n3A_167 = arith.select %eq3A_164, %get3A_49, %broadcast_in_dim3A_166 : vector<128x32xi1>, vector<128x32xi32>
    %reduce_sum3A_168 = arith.constant dense<0> : vector<128xi32>
    %reduce_sum3A_169 = vector.multi_reduction <add>, %select_n3A_167, %reduce_sum3A_168 [1] : vector<128x32xi32> to vector<128xi32>
    %eq3A_170 = arith.constant 15 : i32
    %eq3A_171 = vector.broadcast %eq3A_170 : i32 to vector<128x32xi32>
    %eq3A_172 = arith.cmpi eq, %reduce_sum3A_46, %eq3A_171 : vector<128x32xi32>
    %jit3A_173 = arith.constant 0 : i32
    %broadcast_in_dim3A_174 = vector.broadcast %jit3A_173 : i32 to vector<128x32xi32>
    %select_n3A_175 = arith.select %eq3A_172, %get3A_49, %broadcast_in_dim3A_174 : vector<128x32xi1>, vector<128x32xi32>
    %reduce_sum3A_176 = arith.constant dense<0> : vector<128xi32>
    %reduce_sum3A_177 = vector.multi_reduction <add>, %select_n3A_175, %reduce_sum3A_176 [1] : vector<128x32xi32> to vector<128xi32>
    %stack3A = vector.shape_cast %reduce_sum3A_57 : vector<128xi32> to vector<1x128xi32>
    %stack3A_178 = vector.shape_cast %reduce_sum3A_65 : vector<128xi32> to vector<1x128xi32>
    %stack3A_179 = vector.shape_cast %reduce_sum3A_73 : vector<128xi32> to vector<1x128xi32>
    %stack3A_180 = vector.shape_cast %reduce_sum3A_81 : vector<128xi32> to vector<1x128xi32>
    %stack3A_181 = vector.shape_cast %reduce_sum3A_89 : vector<128xi32> to vector<1x128xi32>
    %stack3A_182 = vector.shape_cast %reduce_sum3A_97 : vector<128xi32> to vector<1x128xi32>
    %stack3A_183 = vector.shape_cast %reduce_sum3A_105 : vector<128xi32> to vector<1x128xi32>
    %stack3A_184 = vector.shape_cast %reduce_sum3A_113 : vector<128xi32> to vector<1x128xi32>
    %stack3A_185 = vector.shape_cast %reduce_sum3A_121 : vector<128xi32> to vector<1x128xi32>
    %stack3A_186 = vector.shape_cast %reduce_sum3A_129 : vector<128xi32> to vector<1x128xi32>
    %stack3A_187 = vector.shape_cast %reduce_sum3A_137 : vector<128xi32> to vector<1x128xi32>
    %stack3A_188 = vector.shape_cast %reduce_sum3A_145 : vector<128xi32> to vector<1x128xi32>
    %stack3A_189 = vector.shape_cast %reduce_sum3A_153 : vector<128xi32> to vector<1x128xi32>
    %stack3A_190 = vector.shape_cast %reduce_sum3A_161 : vector<128xi32> to vector<1x128xi32>
    %stack3A_191 = vector.shape_cast %reduce_sum3A_169 : vector<128xi32> to vector<1x128xi32>
    %stack3A_192 = vector.shape_cast %reduce_sum3A_177 : vector<128xi32> to vector<1x128xi32>
    %stack3A_193 = tpu.concatenate %stack3A, %stack3A_178, %stack3A_179, %stack3A_180, %stack3A_181, %stack3A_182, %stack3A_183, %stack3A_184, %stack3A_185, %stack3A_186, %stack3A_187, %stack3A_188, %stack3A_189, %stack3A_190, %stack3A_191, %stack3A_192 in 0 : vector<1x128xi32>, vector<1x128xi32>, vector<1x128xi32>, vector<1x128xi32>, vector<1x128xi32>, vector<1x128xi32>, vector<1x128xi32>, vector<1x128xi32>, vector<1x128xi32>, vector<1x128xi32>, vector<1x128xi32>, vector<1x128xi32>, vector<1x128xi32>, vector<1x128xi32>, vector<1x128xi32>, vector<1x128xi32> -> vector<16x128xi32>
    %jit3A_194 = arith.constant 0 : i32
    %jit3A_195 = arith.constant 99999 : i32
    %max3A = vector.broadcast %jit3A_194 : i32 to vector<16x128xi32>
    %max3A_196 = arith.maxsi %max3A, %stack3A_193 : vector<16x128xi32>
    %min3A = vector.broadcast %jit3A_195 : i32 to vector<16x128xi32>
    %min3A_197 = arith.minsi %min3A, %max3A_196 : vector<16x128xi32>
    %swap3A = arith.constant 0 : index
    %swap3A_198 = arith.constant 0 : index
    %swap3A_199 = arith.constant 0 : index
    %swap3A_200 = vector.load %arg8[%swap3A, %swap3A_198, %swap3A_199] : memref<1x16x128xi32, #tpu.memory_space<vmem>>, vector<1x16x128xi32>
    %swap3A_201 = vector.shape_cast %swap3A_200 : vector<1x16x128xi32> to vector<16x128xi32>
    %swap3A_202 = vector.shape_cast %min3A_197 : vector<16x128xi32> to vector<1x16x128xi32>
    tpu.vector_store %arg8[%swap3A, %swap3A_198, %swap3A_199], %swap3A_202 {strides = array<i32>} : memref<1x16x128xi32, #tpu.memory_space<vmem>>, vector<1x16x128xi32>,
    %get3A_203 = arith.constant 0 : index
    %get3A_204 = arith.constant 0 : index
    %get3A_205 = vector.load %arg3[%get3A_203, %get3A_204] : memref<128x512xf32, #tpu.memory_space<vmem>>, vector<128x512xf32>
    %sub3A_206 = arith.subf %get3A_205, %reshape3A : vector<128x512xf32>
    %abs3A_207 = math.absf %sub3A_206 : vector<128x512xf32>
    %dot_general3A_208 = arith.constant dense<0.000000e+00> : vector<128x32xf32>
    %dot_general3A_209 = tpu.matmul %abs3A_207, %convert_element_type3A_28, %dot_general3A_208 {dimension_numbers = #tpu.dot_dimension_numbers<[1], [0], [0], [1], [0, 0, 1, 1], [], []>, precision = #tpu.contract_precision<fp32>, transpose_lhs_hint = false} : vector<128x512xf32>, vector<512x32xf32>, vector<128x32xf32> -> vector<128x32xf32>
    %broadcast_in_dim3A_210 = vector.shape_cast %dot_general3A_209 : vector<128x32xf32> to vector<128x1x32xf32>
    %broadcast_in_dim3A_211 = vector.shape_cast %dot_general3A_209 : vector<128x32xf32> to vector<128x32x1xf32>
    %lt3A_212 = vector.broadcast %broadcast_in_dim3A_210 : vector<128x1x32xf32> to vector<128x32x32xf32>
    %lt3A_213 = vector.broadcast %broadcast_in_dim3A_211 : vector<128x32x1xf32> to vector<128x32x32xf32>
    %lt3A_214 = arith.cmpf olt, %lt3A_212, %lt3A_213 : vector<128x32x32xf32>
    %eq3A_215 = vector.broadcast %broadcast_in_dim3A_210 : vector<128x1x32xf32> to vector<128x32x32xf32>
    %eq3A_216 = vector.broadcast %broadcast_in_dim3A_211 : vector<128x32x1xf32> to vector<128x32x32xf32>
    %eq3A_217 = arith.cmpf oeq, %eq3A_215, %eq3A_216 : vector<128x32x32xf32>
    %lt3A_218 = arith.cmpi slt, %iota3A_29, %iota3A_30 : vector<128x32x32xi32>
    %and3A_219 = arith.andi %eq3A_217, %lt3A_218 : vector<128x32x32xi1>
    %or3A_220 = arith.ori %lt3A_214, %and3A_219 : vector<128x32x32xi1>
    %convert_element_type3A_221 = arith.extui %or3A_220 : vector<128x32x32xi1> to vector<128x32x32xi32>
    %reduce_sum3A_222 = arith.constant dense<0> : vector<128x32xi32>
    %reduce_sum3A_223 = vector.multi_reduction <add>, %convert_element_type3A_221, %reduce_sum3A_222 [2] : vector<128x32x32xi32> to vector<128x32xi32>
    %get3A_224 = arith.constant 0 : index
    %get3A_225 = arith.constant 0 : index
    %get3A_226 = vector.load %arg6[%get3A_224, %get3A_225] : memref<128x32xi32, #tpu.memory_space<vmem>>, vector<128x32xi32>
    %eq3A_227 = arith.constant 0 : i32
    %eq3A_228 = vector.broadcast %eq3A_227 : i32 to vector<128x32xi32>
    %eq3A_229 = arith.cmpi eq, %reduce_sum3A_223, %eq3A_228 : vector<128x32xi32>
    %jit3A_230 = arith.constant 0 : i32
    %broadcast_in_dim3A_231 = vector.broadcast %jit3A_230 : i32 to vector<128x32xi32>
    %select_n3A_232 = arith.select %eq3A_229, %get3A_226, %broadcast_in_dim3A_231 : vector<128x32xi1>, vector<128x32xi32>
    %reduce_sum3A_233 = arith.constant dense<0> : vector<128xi32>
    %reduce_sum3A_234 = vector.multi_reduction <add>, %select_n3A_232, %reduce_sum3A_233 [1] : vector<128x32xi32> to vector<128xi32>
    %eq3A_235 = arith.constant 1 : i32
    %eq3A_236 = vector.broadcast %eq3A_235 : i32 to vector<128x32xi32>
    %eq3A_237 = arith.cmpi eq, %reduce_sum3A_223, %eq3A_236 : vector<128x32xi32>
    %jit3A_238 = arith.constant 0 : i32
    %broadcast_in_dim3A_239 = vector.broadcast %jit3A_238 : i32 to vector<128x32xi32>
    %select_n3A_240 = arith.select %eq3A_237, %get3A_226, %broadcast_in_dim3A_239 : vector<128x32xi1>, vector<128x32xi32>
    %reduce_sum3A_241 = arith.constant dense<0> : vector<128xi32>
    %reduce_sum3A_242 = vector.multi_reduction <add>, %select_n3A_240, %reduce_sum3A_241 [1] : vector<128x32xi32> to vector<128xi32>
    %eq3A_243 = arith.constant 2 : i32
    %eq3A_244 = vector.broadcast %eq3A_243 : i32 to vector<128x32xi32>
    %eq3A_245 = arith.cmpi eq, %reduce_sum3A_223, %eq3A_244 : vector<128x32xi32>
    %jit3A_246 = arith.constant 0 : i32
    %broadcast_in_dim3A_247 = vector.broadcast %jit3A_246 : i32 to vector<128x32xi32>
    %select_n3A_248 = arith.select %eq3A_245, %get3A_226, %broadcast_in_dim3A_247 : vector<128x32xi1>, vector<128x32xi32>
    %reduce_sum3A_249 = arith.constant dense<0> : vector<128xi32>
    %reduce_sum3A_250 = vector.multi_reduction <add>, %select_n3A_248, %reduce_sum3A_249 [1] : vector<128x32xi32> to vector<128xi32>
    %eq3A_251 = arith.constant 3 : i32
    %eq3A_252 = vector.broadcast %eq3A_251 : i32 to vector<128x32xi32>
    %eq3A_253 = arith.cmpi eq, %reduce_sum3A_223, %eq3A_252 : vector<128x32xi32>
    %jit3A_254 = arith.constant 0 : i32
    %broadcast_in_dim3A_255 = vector.broadcast %jit3A_254 : i32 to vector<128x32xi32>
    %select_n3A_256 = arith.select %eq3A_253, %get3A_226, %broadcast_in_dim3A_255 : vector<128x32xi1>, vector<128x32xi32>
    %reduce_sum3A_257 = arith.constant dense<0> : vector<128xi32>
    %reduce_sum3A_258 = vector.multi_reduction <add>, %select_n3A_256, %reduce_sum3A_257 [1] : vector<128x32xi32> to vector<128xi32>
    %eq3A_259 = arith.constant 4 : i32
    %eq3A_260 = vector.broadcast %eq3A_259 : i32 to vector<128x32xi32>
    %eq3A_261 = arith.cmpi eq, %reduce_sum3A_223, %eq3A_260 : vector<128x32xi32>
    %jit3A_262 = arith.constant 0 : i32
    %broadcast_in_dim3A_263 = vector.broadcast %jit3A_262 : i32 to vector<128x32xi32>
    %select_n3A_264 = arith.select %eq3A_261, %get3A_226, %broadcast_in_dim3A_263 : vector<128x32xi1>, vector<128x32xi32>
    %reduce_sum3A_265 = arith.constant dense<0> : vector<128xi32>
    %reduce_sum3A_266 = vector.multi_reduction <add>, %select_n3A_264, %reduce_sum3A_265 [1] : vector<128x32xi32> to vector<128xi32>
    %eq3A_267 = arith.constant 5 : i32
    %eq3A_268 = vector.broadcast %eq3A_267 : i32 to vector<128x32xi32>
    %eq3A_269 = arith.cmpi eq, %reduce_sum3A_223, %eq3A_268 : vector<128x32xi32>
    %jit3A_270 = arith.constant 0 : i32
    %broadcast_in_dim3A_271 = vector.broadcast %jit3A_270 : i32 to vector<128x32xi32>
    %select_n3A_272 = arith.select %eq3A_269, %get3A_226, %broadcast_in_dim3A_271 : vector<128x32xi1>, vector<128x32xi32>
    %reduce_sum3A_273 = arith.constant dense<0> : vector<128xi32>
    %reduce_sum3A_274 = vector.multi_reduction <add>, %select_n3A_272, %reduce_sum3A_273 [1] : vector<128x32xi32> to vector<128xi32>
    %eq3A_275 = arith.constant 6 : i32
    %eq3A_276 = vector.broadcast %eq3A_275 : i32 to vector<128x32xi32>
    %eq3A_277 = arith.cmpi eq, %reduce_sum3A_223, %eq3A_276 : vector<128x32xi32>
    %jit3A_278 = arith.constant 0 : i32
    %broadcast_in_dim3A_279 = vector.broadcast %jit3A_278 : i32 to vector<128x32xi32>
    %select_n3A_280 = arith.select %eq3A_277, %get3A_226, %broadcast_in_dim3A_279 : vector<128x32xi1>, vector<128x32xi32>
    %reduce_sum3A_281 = arith.constant dense<0> : vector<128xi32>
    %reduce_sum3A_282 = vector.multi_reduction <add>, %select_n3A_280, %reduce_sum3A_281 [1] : vector<128x32xi32> to vector<128xi32>
    %eq3A_283 = arith.constant 7 : i32
    %eq3A_284 = vector.broadcast %eq3A_283 : i32 to vector<128x32xi32>
    %eq3A_285 = arith.cmpi eq, %reduce_sum3A_223, %eq3A_284 : vector<128x32xi32>
    %jit3A_286 = arith.constant 0 : i32
    %broadcast_in_dim3A_287 = vector.broadcast %jit3A_286 : i32 to vector<128x32xi32>
    %select_n3A_288 = arith.select %eq3A_285, %get3A_226, %broadcast_in_dim3A_287 : vector<128x32xi1>, vector<128x32xi32>
    %reduce_sum3A_289 = arith.constant dense<0> : vector<128xi32>
    %reduce_sum3A_290 = vector.multi_reduction <add>, %select_n3A_288, %reduce_sum3A_289 [1] : vector<128x32xi32> to vector<128xi32>
    %eq3A_291 = arith.constant 8 : i32
    %eq3A_292 = vector.broadcast %eq3A_291 : i32 to vector<128x32xi32>
    %eq3A_293 = arith.cmpi eq, %reduce_sum3A_223, %eq3A_292 : vector<128x32xi32>
    %jit3A_294 = arith.constant 0 : i32
    %broadcast_in_dim3A_295 = vector.broadcast %jit3A_294 : i32 to vector<128x32xi32>
    %select_n3A_296 = arith.select %eq3A_293, %get3A_226, %broadcast_in_dim3A_295 : vector<128x32xi1>, vector<128x32xi32>
    %reduce_sum3A_297 = arith.constant dense<0> : vector<128xi32>
    %reduce_sum3A_298 = vector.multi_reduction <add>, %select_n3A_296, %reduce_sum3A_297 [1] : vector<128x32xi32> to vector<128xi32>
    %eq3A_299 = arith.constant 9 : i32
    %eq3A_300 = vector.broadcast %eq3A_299 : i32 to vector<128x32xi32>
    %eq3A_301 = arith.cmpi eq, %reduce_sum3A_223, %eq3A_300 : vector<128x32xi32>
    %jit3A_302 = arith.constant 0 : i32
    %broadcast_in_dim3A_303 = vector.broadcast %jit3A_302 : i32 to vector<128x32xi32>
    %select_n3A_304 = arith.select %eq3A_301, %get3A_226, %broadcast_in_dim3A_303 : vector<128x32xi1>, vector<128x32xi32>
    %reduce_sum3A_305 = arith.constant dense<0> : vector<128xi32>
    %reduce_sum3A_306 = vector.multi_reduction <add>, %select_n3A_304, %reduce_sum3A_305 [1] : vector<128x32xi32> to vector<128xi32>
    %eq3A_307 = arith.constant 10 : i32
    %eq3A_308 = vector.broadcast %eq3A_307 : i32 to vector<128x32xi32>
    %eq3A_309 = arith.cmpi eq, %reduce_sum3A_223, %eq3A_308 : vector<128x32xi32>
    %jit3A_310 = arith.constant 0 : i32
    %broadcast_in_dim3A_311 = vector.broadcast %jit3A_310 : i32 to vector<128x32xi32>
    %select_n3A_312 = arith.select %eq3A_309, %get3A_226, %broadcast_in_dim3A_311 : vector<128x32xi1>, vector<128x32xi32>
    %reduce_sum3A_313 = arith.constant dense<0> : vector<128xi32>
    %reduce_sum3A_314 = vector.multi_reduction <add>, %select_n3A_312, %reduce_sum3A_313 [1] : vector<128x32xi32> to vector<128xi32>
    %eq3A_315 = arith.constant 11 : i32
    %eq3A_316 = vector.broadcast %eq3A_315 : i32 to vector<128x32xi32>
    %eq3A_317 = arith.cmpi eq, %reduce_sum3A_223, %eq3A_316 : vector<128x32xi32>
    %jit3A_318 = arith.constant 0 : i32
    %broadcast_in_dim3A_319 = vector.broadcast %jit3A_318 : i32 to vector<128x32xi32>
    %select_n3A_320 = arith.select %eq3A_317, %get3A_226, %broadcast_in_dim3A_319 : vector<128x32xi1>, vector<128x32xi32>
    %reduce_sum3A_321 = arith.constant dense<0> : vector<128xi32>
    %reduce_sum3A_322 = vector.multi_reduction <add>, %select_n3A_320, %reduce_sum3A_321 [1] : vector<128x32xi32> to vector<128xi32>
    %eq3A_323 = arith.constant 12 : i32
    %eq3A_324 = vector.broadcast %eq3A_323 : i32 to vector<128x32xi32>
    %eq3A_325 = arith.cmpi eq, %reduce_sum3A_223, %eq3A_324 : vector<128x32xi32>
    %jit3A_326 = arith.constant 0 : i32
    %broadcast_in_dim3A_327 = vector.broadcast %jit3A_326 : i32 to vector<128x32xi32>
    %select_n3A_328 = arith.select %eq3A_325, %get3A_226, %broadcast_in_dim3A_327 : vector<128x32xi1>, vector<128x32xi32>
    %reduce_sum3A_329 = arith.constant dense<0> : vector<128xi32>
    %reduce_sum3A_330 = vector.multi_reduction <add>, %select_n3A_328, %reduce_sum3A_329 [1] : vector<128x32xi32> to vector<128xi32>
    %eq3A_331 = arith.constant 13 : i32
    %eq3A_332 = vector.broadcast %eq3A_331 : i32 to vector<128x32xi32>
    %eq3A_333 = arith.cmpi eq, %reduce_sum3A_223, %eq3A_332 : vector<128x32xi32>
    %jit3A_334 = arith.constant 0 : i32
    %broadcast_in_dim3A_335 = vector.broadcast %jit3A_334 : i32 to vector<128x32xi32>
    %select_n3A_336 = arith.select %eq3A_333, %get3A_226, %broadcast_in_dim3A_335 : vector<128x32xi1>, vector<128x32xi32>
    %reduce_sum3A_337 = arith.constant dense<0> : vector<128xi32>
    %reduce_sum3A_338 = vector.multi_reduction <add>, %select_n3A_336, %reduce_sum3A_337 [1] : vector<128x32xi32> to vector<128xi32>
    %eq3A_339 = arith.constant 14 : i32
    %eq3A_340 = vector.broadcast %eq3A_339 : i32 to vector<128x32xi32>
    %eq3A_341 = arith.cmpi eq, %reduce_sum3A_223, %eq3A_340 : vector<128x32xi32>
    %jit3A_342 = arith.constant 0 : i32
    %broadcast_in_dim3A_343 = vector.broadcast %jit3A_342 : i32 to vector<128x32xi32>
    %select_n3A_344 = arith.select %eq3A_341, %get3A_226, %broadcast_in_dim3A_343 : vector<128x32xi1>, vector<128x32xi32>
    %reduce_sum3A_345 = arith.constant dense<0> : vector<128xi32>
    %reduce_sum3A_346 = vector.multi_reduction <add>, %select_n3A_344, %reduce_sum3A_345 [1] : vector<128x32xi32> to vector<128xi32>
    %eq3A_347 = arith.constant 15 : i32
    %eq3A_348 = vector.broadcast %eq3A_347 : i32 to vector<128x32xi32>
    %eq3A_349 = arith.cmpi eq, %reduce_sum3A_223, %eq3A_348 : vector<128x32xi32>
    %jit3A_350 = arith.constant 0 : i32
    %broadcast_in_dim3A_351 = vector.broadcast %jit3A_350 : i32 to vector<128x32xi32>
    %select_n3A_352 = arith.select %eq3A_349, %get3A_226, %broadcast_in_dim3A_351 : vector<128x32xi1>, vector<128x32xi32>
    %reduce_sum3A_353 = arith.constant dense<0> : vector<128xi32>
    %reduce_sum3A_354 = vector.multi_reduction <add>, %select_n3A_352, %reduce_sum3A_353 [1] : vector<128x32xi32> to vector<128xi32>
    %stack3A_355 = vector.shape_cast %reduce_sum3A_234 : vector<128xi32> to vector<1x128xi32>
    %stack3A_356 = vector.shape_cast %reduce_sum3A_242 : vector<128xi32> to vector<1x128xi32>
    %stack3A_357 = vector.shape_cast %reduce_sum3A_250 : vector<128xi32> to vector<1x128xi32>
    %stack3A_358 = vector.shape_cast %reduce_sum3A_258 : vector<128xi32> to vector<1x128xi32>
    %stack3A_359 = vector.shape_cast %reduce_sum3A_266 : vector<128xi32> to vector<1x128xi32>
    %stack3A_360 = vector.shape_cast %reduce_sum3A_274 : vector<128xi32> to vector<1x128xi32>
    %stack3A_361 = vector.shape_cast %reduce_sum3A_282 : vector<128xi32> to vector<1x128xi32>
    %stack3A_362 = vector.shape_cast %reduce_sum3A_290 : vector<128xi32> to vector<1x128xi32>
    %stack3A_363 = vector.shape_cast %reduce_sum3A_298 : vector<128xi32> to vector<1x128xi32>
    %stack3A_364 = vector.shape_cast %reduce_sum3A_306 : vector<128xi32> to vector<1x128xi32>
    %stack3A_365 = vector.shape_cast %reduce_sum3A_314 : vector<128xi32> to vector<1x128xi32>
    %stack3A_366 = vector.shape_cast %reduce_sum3A_322 : vector<128xi32> to vector<1x128xi32>
    %stack3A_367 = vector.shape_cast %reduce_sum3A_330 : vector<128xi32> to vector<1x128xi32>
    %stack3A_368 = vector.shape_cast %reduce_sum3A_338 : vector<128xi32> to vector<1x128xi32>
    %stack3A_369 = vector.shape_cast %reduce_sum3A_346 : vector<128xi32> to vector<1x128xi32>
    %stack3A_370 = vector.shape_cast %reduce_sum3A_354 : vector<128xi32> to vector<1x128xi32>
    %stack3A_371 = tpu.concatenate %stack3A_355, %stack3A_356, %stack3A_357, %stack3A_358, %stack3A_359, %stack3A_360, %stack3A_361, %stack3A_362, %stack3A_363, %stack3A_364, %stack3A_365, %stack3A_366, %stack3A_367, %stack3A_368, %stack3A_369, %stack3A_370 in 0 : vector<1x128xi32>, vector<1x128xi32>, vector<1x128xi32>, vector<1x128xi32>, vector<1x128xi32>, vector<1x128xi32>, vector<1x128xi32>, vector<1x128xi32>, vector<1x128xi32>, vector<1x128xi32>, vector<1x128xi32>, vector<1x128xi32>, vector<1x128xi32>, vector<1x128xi32>, vector<1x128xi32>, vector<1x128xi32> -> vector<16x128xi32>
    %jit3A_372 = arith.constant 0 : i32
    %jit3A_373 = arith.constant 99999 : i32
    %max3A_374 = vector.broadcast %jit3A_372 : i32 to vector<16x128xi32>
    %max3A_375 = arith.maxsi %max3A_374, %stack3A_371 : vector<16x128xi32>
    %min3A_376 = vector.broadcast %jit3A_373 : i32 to vector<16x128xi32>
    %min3A_377 = arith.minsi %min3A_376, %max3A_375 : vector<16x128xi32>
    %swap3A_378 = arith.constant 0 : index
    %swap3A_379 = arith.constant 0 : index
    %swap3A_380 = arith.constant 0 : index
    %swap3A_381 = vector.load %arg9[%swap3A_378, %swap3A_379, %swap3A_380] : memref<1x16x128xi32, #tpu.memory_space<vmem>>, vector<1x16x128xi32>
    %swap3A_382 = vector.shape_cast %swap3A_381 : vector<1x16x128xi32> to vector<16x128xi32>
    %swap3A_383 = vector.shape_cast %min3A_377 : vector<16x128xi32> to vector<1x16x128xi32>
    tpu.vector_store %arg9[%swap3A_378, %swap3A_379, %swap3A_380], %swap3A_383 {strides = array<i32>} : memref<1x16x128xi32, #tpu.memory_space<vmem>>, vector<1x16x128xi32>,
    %get3A_384 = arith.constant 0 : index
    %get3A_385 = arith.constant 0 : index
    %get3A_386 = vector.load %arg4[%get3A_384, %get3A_385] : memref<128x512xf32, #tpu.memory_space<vmem>>, vector<128x512xf32>
    %sub3A_387 = arith.subf %get3A_386, %reshape3A : vector<128x512xf32>
    %abs3A_388 = math.absf %sub3A_387 : vector<128x512xf32>
    %dot_general3A_389 = arith.constant dense<0.000000e+00> : vector<128x32xf32>
    %dot_general3A_390 = tpu.matmul %abs3A_388, %convert_element_type3A_28, %dot_general3A_389 {dimension_numbers = #tpu.dot_dimension_numbers<[1], [0], [0], [1], [0, 0, 1, 1], [], []>, precision = #tpu.contract_precision<fp32>, transpose_lhs_hint = false} : vector<128x512xf32>, vector<512x32xf32>, vector<128x32xf32> -> vector<128x32xf32>
    %broadcast_in_dim3A_391 = vector.shape_cast %dot_general3A_390 : vector<128x32xf32> to vector<128x1x32xf32>
    %broadcast_in_dim3A_392 = vector.shape_cast %dot_general3A_390 : vector<128x32xf32> to vector<128x32x1xf32>
    %lt3A_393 = vector.broadcast %broadcast_in_dim3A_391 : vector<128x1x32xf32> to vector<128x32x32xf32>
    %lt3A_394 = vector.broadcast %broadcast_in_dim3A_392 : vector<128x32x1xf32> to vector<128x32x32xf32>
    %lt3A_395 = arith.cmpf olt, %lt3A_393, %lt3A_394 : vector<128x32x32xf32>
    %eq3A_396 = vector.broadcast %broadcast_in_dim3A_391 : vector<128x1x32xf32> to vector<128x32x32xf32>
    %eq3A_397 = vector.broadcast %broadcast_in_dim3A_392 : vector<128x32x1xf32> to vector<128x32x32xf32>
    %eq3A_398 = arith.cmpf oeq, %eq3A_396, %eq3A_397 : vector<128x32x32xf32>
    %lt3A_399 = arith.cmpi slt, %iota3A_29, %iota3A_30 : vector<128x32x32xi32>
    %and3A_400 = arith.andi %eq3A_398, %lt3A_399 : vector<128x32x32xi1>
    %or3A_401 = arith.ori %lt3A_395, %and3A_400 : vector<128x32x32xi1>
    %convert_element_type3A_402 = arith.extui %or3A_401 : vector<128x32x32xi1> to vector<128x32x32xi32>
    %reduce_sum3A_403 = arith.constant dense<0> : vector<128x32xi32>
    %reduce_sum3A_404 = vector.multi_reduction <add>, %convert_element_type3A_402, %reduce_sum3A_403 [2] : vector<128x32x32xi32> to vector<128x32xi32>
    %get3A_405 = arith.constant 0 : index
    %get3A_406 = arith.constant 0 : index
    %get3A_407 = vector.load %arg7[%get3A_405, %get3A_406] : memref<128x32xi32, #tpu.memory_space<vmem>>, vector<128x32xi32>
    %eq3A_408 = arith.constant 0 : i32
    %eq3A_409 = vector.broadcast %eq3A_408 : i32 to vector<128x32xi32>
    %eq3A_410 = arith.cmpi eq, %reduce_sum3A_404, %eq3A_409 : vector<128x32xi32>
    %jit3A_411 = arith.constant 0 : i32
    %broadcast_in_dim3A_412 = vector.broadcast %jit3A_411 : i32 to vector<128x32xi32>
    %select_n3A_413 = arith.select %eq3A_410, %get3A_407, %broadcast_in_dim3A_412 : vector<128x32xi1>, vector<128x32xi32>
    %reduce_sum3A_414 = arith.constant dense<0> : vector<128xi32>
    %reduce_sum3A_415 = vector.multi_reduction <add>, %select_n3A_413, %reduce_sum3A_414 [1] : vector<128x32xi32> to vector<128xi32>
    %eq3A_416 = arith.constant 1 : i32
    %eq3A_417 = vector.broadcast %eq3A_416 : i32 to vector<128x32xi32>
    %eq3A_418 = arith.cmpi eq, %reduce_sum3A_404, %eq3A_417 : vector<128x32xi32>
    %jit3A_419 = arith.constant 0 : i32
    %broadcast_in_dim3A_420 = vector.broadcast %jit3A_419 : i32 to vector<128x32xi32>
    %select_n3A_421 = arith.select %eq3A_418, %get3A_407, %broadcast_in_dim3A_420 : vector<128x32xi1>, vector<128x32xi32>
    %reduce_sum3A_422 = arith.constant dense<0> : vector<128xi32>
    %reduce_sum3A_423 = vector.multi_reduction <add>, %select_n3A_421, %reduce_sum3A_422 [1] : vector<128x32xi32> to vector<128xi32>
    %eq3A_424 = arith.constant 2 : i32
    %eq3A_425 = vector.broadcast %eq3A_424 : i32 to vector<128x32xi32>
    %eq3A_426 = arith.cmpi eq, %reduce_sum3A_404, %eq3A_425 : vector<128x32xi32>
    %jit3A_427 = arith.constant 0 : i32
    %broadcast_in_dim3A_428 = vector.broadcast %jit3A_427 : i32 to vector<128x32xi32>
    %select_n3A_429 = arith.select %eq3A_426, %get3A_407, %broadcast_in_dim3A_428 : vector<128x32xi1>, vector<128x32xi32>
    %reduce_sum3A_430 = arith.constant dense<0> : vector<128xi32>
    %reduce_sum3A_431 = vector.multi_reduction <add>, %select_n3A_429, %reduce_sum3A_430 [1] : vector<128x32xi32> to vector<128xi32>
    %eq3A_432 = arith.constant 3 : i32
    %eq3A_433 = vector.broadcast %eq3A_432 : i32 to vector<128x32xi32>
    %eq3A_434 = arith.cmpi eq, %reduce_sum3A_404, %eq3A_433 : vector<128x32xi32>
    %jit3A_435 = arith.constant 0 : i32
    %broadcast_in_dim3A_436 = vector.broadcast %jit3A_435 : i32 to vector<128x32xi32>
    %select_n3A_437 = arith.select %eq3A_434, %get3A_407, %broadcast_in_dim3A_436 : vector<128x32xi1>, vector<128x32xi32>
    %reduce_sum3A_438 = arith.constant dense<0> : vector<128xi32>
    %reduce_sum3A_439 = vector.multi_reduction <add>, %select_n3A_437, %reduce_sum3A_438 [1] : vector<128x32xi32> to vector<128xi32>
    %eq3A_440 = arith.constant 4 : i32
    %eq3A_441 = vector.broadcast %eq3A_440 : i32 to vector<128x32xi32>
    %eq3A_442 = arith.cmpi eq, %reduce_sum3A_404, %eq3A_441 : vector<128x32xi32>
    %jit3A_443 = arith.constant 0 : i32
    %broadcast_in_dim3A_444 = vector.broadcast %jit3A_443 : i32 to vector<128x32xi32>
    %select_n3A_445 = arith.select %eq3A_442, %get3A_407, %broadcast_in_dim3A_444 : vector<128x32xi1>, vector<128x32xi32>
    %reduce_sum3A_446 = arith.constant dense<0> : vector<128xi32>
    %reduce_sum3A_447 = vector.multi_reduction <add>, %select_n3A_445, %reduce_sum3A_446 [1] : vector<128x32xi32> to vector<128xi32>
    %eq3A_448 = arith.constant 5 : i32
    %eq3A_449 = vector.broadcast %eq3A_448 : i32 to vector<128x32xi32>
    %eq3A_450 = arith.cmpi eq, %reduce_sum3A_404, %eq3A_449 : vector<128x32xi32>
    %jit3A_451 = arith.constant 0 : i32
    %broadcast_in_dim3A_452 = vector.broadcast %jit3A_451 : i32 to vector<128x32xi32>
    %select_n3A_453 = arith.select %eq3A_450, %get3A_407, %broadcast_in_dim3A_452 : vector<128x32xi1>, vector<128x32xi32>
    %reduce_sum3A_454 = arith.constant dense<0> : vector<128xi32>
    %reduce_sum3A_455 = vector.multi_reduction <add>, %select_n3A_453, %reduce_sum3A_454 [1] : vector<128x32xi32> to vector<128xi32>
    %eq3A_456 = arith.constant 6 : i32
    %eq3A_457 = vector.broadcast %eq3A_456 : i32 to vector<128x32xi32>
    %eq3A_458 = arith.cmpi eq, %reduce_sum3A_404, %eq3A_457 : vector<128x32xi32>
    %jit3A_459 = arith.constant 0 : i32
    %broadcast_in_dim3A_460 = vector.broadcast %jit3A_459 : i32 to vector<128x32xi32>
    %select_n3A_461 = arith.select %eq3A_458, %get3A_407, %broadcast_in_dim3A_460 : vector<128x32xi1>, vector<128x32xi32>
    %reduce_sum3A_462 = arith.constant dense<0> : vector<128xi32>
    %reduce_sum3A_463 = vector.multi_reduction <add>, %select_n3A_461, %reduce_sum3A_462 [1] : vector<128x32xi32> to vector<128xi32>
    %eq3A_464 = arith.constant 7 : i32
    %eq3A_465 = vector.broadcast %eq3A_464 : i32 to vector<128x32xi32>
    %eq3A_466 = arith.cmpi eq, %reduce_sum3A_404, %eq3A_465 : vector<128x32xi32>
    %jit3A_467 = arith.constant 0 : i32
    %broadcast_in_dim3A_468 = vector.broadcast %jit3A_467 : i32 to vector<128x32xi32>
    %select_n3A_469 = arith.select %eq3A_466, %get3A_407, %broadcast_in_dim3A_468 : vector<128x32xi1>, vector<128x32xi32>
    %reduce_sum3A_470 = arith.constant dense<0> : vector<128xi32>
    %reduce_sum3A_471 = vector.multi_reduction <add>, %select_n3A_469, %reduce_sum3A_470 [1] : vector<128x32xi32> to vector<128xi32>
    %eq3A_472 = arith.constant 8 : i32
    %eq3A_473 = vector.broadcast %eq3A_472 : i32 to vector<128x32xi32>
    %eq3A_474 = arith.cmpi eq, %reduce_sum3A_404, %eq3A_473 : vector<128x32xi32>
    %jit3A_475 = arith.constant 0 : i32
    %broadcast_in_dim3A_476 = vector.broadcast %jit3A_475 : i32 to vector<128x32xi32>
    %select_n3A_477 = arith.select %eq3A_474, %get3A_407, %broadcast_in_dim3A_476 : vector<128x32xi1>, vector<128x32xi32>
    %reduce_sum3A_478 = arith.constant dense<0> : vector<128xi32>
    %reduce_sum3A_479 = vector.multi_reduction <add>, %select_n3A_477, %reduce_sum3A_478 [1] : vector<128x32xi32> to vector<128xi32>
    %eq3A_480 = arith.constant 9 : i32
    %eq3A_481 = vector.broadcast %eq3A_480 : i32 to vector<128x32xi32>
    %eq3A_482 = arith.cmpi eq, %reduce_sum3A_404, %eq3A_481 : vector<128x32xi32>
    %jit3A_483 = arith.constant 0 : i32
    %broadcast_in_dim3A_484 = vector.broadcast %jit3A_483 : i32 to vector<128x32xi32>
    %select_n3A_485 = arith.select %eq3A_482, %get3A_407, %broadcast_in_dim3A_484 : vector<128x32xi1>, vector<128x32xi32>
    %reduce_sum3A_486 = arith.constant dense<0> : vector<128xi32>
    %reduce_sum3A_487 = vector.multi_reduction <add>, %select_n3A_485, %reduce_sum3A_486 [1] : vector<128x32xi32> to vector<128xi32>
    %eq3A_488 = arith.constant 10 : i32
    %eq3A_489 = vector.broadcast %eq3A_488 : i32 to vector<128x32xi32>
    %eq3A_490 = arith.cmpi eq, %reduce_sum3A_404, %eq3A_489 : vector<128x32xi32>
    %jit3A_491 = arith.constant 0 : i32
    %broadcast_in_dim3A_492 = vector.broadcast %jit3A_491 : i32 to vector<128x32xi32>
    %select_n3A_493 = arith.select %eq3A_490, %get3A_407, %broadcast_in_dim3A_492 : vector<128x32xi1>, vector<128x32xi32>
    %reduce_sum3A_494 = arith.constant dense<0> : vector<128xi32>
    %reduce_sum3A_495 = vector.multi_reduction <add>, %select_n3A_493, %reduce_sum3A_494 [1] : vector<128x32xi32> to vector<128xi32>
    %eq3A_496 = arith.constant 11 : i32
    %eq3A_497 = vector.broadcast %eq3A_496 : i32 to vector<128x32xi32>
    %eq3A_498 = arith.cmpi eq, %reduce_sum3A_404, %eq3A_497 : vector<128x32xi32>
    %jit3A_499 = arith.constant 0 : i32
    %broadcast_in_dim3A_500 = vector.broadcast %jit3A_499 : i32 to vector<128x32xi32>
    %select_n3A_501 = arith.select %eq3A_498, %get3A_407, %broadcast_in_dim3A_500 : vector<128x32xi1>, vector<128x32xi32>
    %reduce_sum3A_502 = arith.constant dense<0> : vector<128xi32>
    %reduce_sum3A_503 = vector.multi_reduction <add>, %select_n3A_501, %reduce_sum3A_502 [1] : vector<128x32xi32> to vector<128xi32>
    %eq3A_504 = arith.constant 12 : i32
    %eq3A_505 = vector.broadcast %eq3A_504 : i32 to vector<128x32xi32>
    %eq3A_506 = arith.cmpi eq, %reduce_sum3A_404, %eq3A_505 : vector<128x32xi32>
    %jit3A_507 = arith.constant 0 : i32
    %broadcast_in_dim3A_508 = vector.broadcast %jit3A_507 : i32 to vector<128x32xi32>
    %select_n3A_509 = arith.select %eq3A_506, %get3A_407, %broadcast_in_dim3A_508 : vector<128x32xi1>, vector<128x32xi32>
    %reduce_sum3A_510 = arith.constant dense<0> : vector<128xi32>
    %reduce_sum3A_511 = vector.multi_reduction <add>, %select_n3A_509, %reduce_sum3A_510 [1] : vector<128x32xi32> to vector<128xi32>
    %eq3A_512 = arith.constant 13 : i32
    %eq3A_513 = vector.broadcast %eq3A_512 : i32 to vector<128x32xi32>
    %eq3A_514 = arith.cmpi eq, %reduce_sum3A_404, %eq3A_513 : vector<128x32xi32>
    %jit3A_515 = arith.constant 0 : i32
    %broadcast_in_dim3A_516 = vector.broadcast %jit3A_515 : i32 to vector<128x32xi32>
    %select_n3A_517 = arith.select %eq3A_514, %get3A_407, %broadcast_in_dim3A_516 : vector<128x32xi1>, vector<128x32xi32>
    %reduce_sum3A_518 = arith.constant dense<0> : vector<128xi32>
    %reduce_sum3A_519 = vector.multi_reduction <add>, %select_n3A_517, %reduce_sum3A_518 [1] : vector<128x32xi32> to vector<128xi32>
    %eq3A_520 = arith.constant 14 : i32
    %eq3A_521 = vector.broadcast %eq3A_520 : i32 to vector<128x32xi32>
    %eq3A_522 = arith.cmpi eq, %reduce_sum3A_404, %eq3A_521 : vector<128x32xi32>
    %jit3A_523 = arith.constant 0 : i32
    %broadcast_in_dim3A_524 = vector.broadcast %jit3A_523 : i32 to vector<128x32xi32>
    %select_n3A_525 = arith.select %eq3A_522, %get3A_407, %broadcast_in_dim3A_524 : vector<128x32xi1>, vector<128x32xi32>
    %reduce_sum3A_526 = arith.constant dense<0> : vector<128xi32>
    %reduce_sum3A_527 = vector.multi_reduction <add>, %select_n3A_525, %reduce_sum3A_526 [1] : vector<128x32xi32> to vector<128xi32>
    %eq3A_528 = arith.constant 15 : i32
    %eq3A_529 = vector.broadcast %eq3A_528 : i32 to vector<128x32xi32>
    %eq3A_530 = arith.cmpi eq, %reduce_sum3A_404, %eq3A_529 : vector<128x32xi32>
    %jit3A_531 = arith.constant 0 : i32
    %broadcast_in_dim3A_532 = vector.broadcast %jit3A_531 : i32 to vector<128x32xi32>
    %select_n3A_533 = arith.select %eq3A_530, %get3A_407, %broadcast_in_dim3A_532 : vector<128x32xi1>, vector<128x32xi32>
    %reduce_sum3A_534 = arith.constant dense<0> : vector<128xi32>
    %reduce_sum3A_535 = vector.multi_reduction <add>, %select_n3A_533, %reduce_sum3A_534 [1] : vector<128x32xi32> to vector<128xi32>
    %stack3A_536 = vector.shape_cast %reduce_sum3A_415 : vector<128xi32> to vector<1x128xi32>
    %stack3A_537 = vector.shape_cast %reduce_sum3A_423 : vector<128xi32> to vector<1x128xi32>
    %stack3A_538 = vector.shape_cast %reduce_sum3A_431 : vector<128xi32> to vector<1x128xi32>
    %stack3A_539 = vector.shape_cast %reduce_sum3A_439 : vector<128xi32> to vector<1x128xi32>
    %stack3A_540 = vector.shape_cast %reduce_sum3A_447 : vector<128xi32> to vector<1x128xi32>
    %stack3A_541 = vector.shape_cast %reduce_sum3A_455 : vector<128xi32> to vector<1x128xi32>
    %stack3A_542 = vector.shape_cast %reduce_sum3A_463 : vector<128xi32> to vector<1x128xi32>
    %stack3A_543 = vector.shape_cast %reduce_sum3A_471 : vector<128xi32> to vector<1x128xi32>
    %stack3A_544 = vector.shape_cast %reduce_sum3A_479 : vector<128xi32> to vector<1x128xi32>
    %stack3A_545 = vector.shape_cast %reduce_sum3A_487 : vector<128xi32> to vector<1x128xi32>
    %stack3A_546 = vector.shape_cast %reduce_sum3A_495 : vector<128xi32> to vector<1x128xi32>
    %stack3A_547 = vector.shape_cast %reduce_sum3A_503 : vector<128xi32> to vector<1x128xi32>
    %stack3A_548 = vector.shape_cast %reduce_sum3A_511 : vector<128xi32> to vector<1x128xi32>
    %stack3A_549 = vector.shape_cast %reduce_sum3A_519 : vector<128xi32> to vector<1x128xi32>
    %stack3A_550 = vector.shape_cast %reduce_sum3A_527 : vector<128xi32> to vector<1x128xi32>
    %stack3A_551 = vector.shape_cast %reduce_sum3A_535 : vector<128xi32> to vector<1x128xi32>
    %stack3A_552 = tpu.concatenate %stack3A_536, %stack3A_537, %stack3A_538, %stack3A_539, %stack3A_540, %stack3A_541, %stack3A_542, %stack3A_543, %stack3A_544, %stack3A_545, %stack3A_546, %stack3A_547, %stack3A_548, %stack3A_549, %stack3A_550, %stack3A_551 in 0 : vector<1x128xi32>, vector<1x128xi32>, vector<1x128xi32>, vector<1x128xi32>, vector<1x128xi32>, vector<1x128xi32>, vector<1x128xi32>, vector<1x128xi32>, vector<1x128xi32>, vector<1x128xi32>, vector<1x128xi32>, vector<1x128xi32>, vector<1x128xi32>, vector<1x128xi32>, vector<1x128xi32>, vector<1x128xi32> -> vector<16x128xi32>
    %jit3A_553 = arith.constant 0 : i32
    %jit3A_554 = arith.constant 99999 : i32
    %max3A_555 = vector.broadcast %jit3A_553 : i32 to vector<16x128xi32>
    %max3A_556 = arith.maxsi %max3A_555, %stack3A_552 : vector<16x128xi32>
    %min3A_557 = vector.broadcast %jit3A_554 : i32 to vector<16x128xi32>
    %min3A_558 = arith.minsi %min3A_557, %max3A_556 : vector<16x128xi32>
    %swap3A_559 = arith.constant 0 : index
    %swap3A_560 = arith.constant 0 : index
    %swap3A_561 = arith.constant 0 : index
    %swap3A_562 = vector.load %arg10[%swap3A_559, %swap3A_560, %swap3A_561] : memref<1x16x128xi32, #tpu.memory_space<vmem>>, vector<1x16x128xi32>
    %swap3A_563 = vector.shape_cast %swap3A_562 : vector<1x16x128xi32> to vector<16x128xi32>
    %swap3A_564 = vector.shape_cast %min3A_558 : vector<16x128xi32> to vector<1x16x128xi32>
    tpu.vector_store %arg10[%swap3A_559, %swap3A_560, %swap3A_561], %swap3A_564 {strides = array<i32>} : memref<1x16x128xi32, #tpu.memory_space<vmem>>, vector<1x16x128xi32>,
    return
  }
  func.func @transform_0(%arg0: i32) -> (i32, i32) {
    %c0_i32 = arith.constant 0 : i32
    %c0_i32_0 = arith.constant 0 : i32
    return %arg0, %c0_i32 : i32, i32
  }
  func.func @transform_1(%arg0: i32) -> (i32, i32) {
    %c0_i32 = arith.constant 0 : i32
    %c0_i32_0 = arith.constant 0 : i32
    return %arg0, %c0_i32 : i32, i32
  }
  func.func @transform_2(%arg0: i32) -> (i32, i32) {
    %c0_i32 = arith.constant 0 : i32
    %c0_i32_0 = arith.constant 0 : i32
    return %arg0, %c0_i32 : i32, i32
  }
  func.func @transform_3(%arg0: i32) -> (i32, i32) {
    %c0_i32 = arith.constant 0 : i32
    %c0_i32_0 = arith.constant 0 : i32
    return %arg0, %c0_i32 : i32, i32
  }
  func.func @transform_4(%arg0: i32) -> (i32, i32) {
    %c0_i32 = arith.constant 0 : i32
    %c0_i32_0 = arith.constant 0 : i32
    return %arg0, %c0_i32 : i32, i32
  }
  func.func @transform_5(%arg0: i32) -> (i32, i32) {
    %c0_i32 = arith.constant 0 : i32
    %c0_i32_0 = arith.constant 0 : i32
    return %arg0, %c0_i32 : i32, i32
  }
  func.func @transform_6(%arg0: i32) -> (i32, i32) {
    %c0_i32 = arith.constant 0 : i32
    %c0_i32_0 = arith.constant 0 : i32
    return %arg0, %c0_i32 : i32, i32
  }
  func.func @transform_7(%arg0: i32) -> (i32, i32, i32) {
    %c0_i32 = arith.constant 0 : i32
    %c0_i32_0 = arith.constant 0 : i32
    %c0_i32_1 = arith.constant 0 : i32
    return %arg0, %c0_i32, %c0_i32_0 : i32, i32, i32
  }
  func.func @transform_8(%arg0: i32) -> (i32, i32, i32) {
    %c0_i32 = arith.constant 0 : i32
    %c0_i32_0 = arith.constant 0 : i32
    %c0_i32_1 = arith.constant 0 : i32
    return %arg0, %c0_i32, %c0_i32_0 : i32, i32, i32
  }
  func.func @transform_9(%arg0: i32) -> (i32, i32, i32) {
    %c0_i32 = arith.constant 0 : i32
    %c0_i32_0 = arith.constant 0 : i32
    %c0_i32_1 = arith.constant 0 : i32
    return %arg0, %c0_i32, %c0_i32_0 : i32, i32, i32
  }
}

module attributes {stable_mosaic.version = 14 : i64} {
  func.func @_combine_body(%arg0: i32, %arg1: memref<512x128xf32, #tpu.memory_space<vmem>>, %arg2: memref<16x512x128xf32, #tpu.memory_space<vmem>>, %arg3: memref<16x512x128xf32, #tpu.memory_space<vmem>>, %arg4: memref<16x512x128xf32, #tpu.memory_space<vmem>>, %arg5: memref<128x64xf32, #tpu.memory_space<vmem>>, %arg6: memref<128x64xf32, #tpu.memory_space<vmem>>, %arg7: memref<128x64xf32, #tpu.memory_space<vmem>>, %arg8: memref<320x64xf32, #tpu.memory_space<vmem>>, %arg9: memref<64x512xf32, #tpu.memory_space<vmem>>) attributes {dimension_semantics = [#tpu.dimension_semantics<arbitrary>], iteration_bounds = array<i64: 8>, scalar_prefetch = 0 : i64, scratch_operands = 0 : i64, tpu.core_type = #tpu.core_type<tc>, window_params = [{transform_indices = @transform_0, window_bounds = array<i64: 512, 128>}, {transform_indices = @transform_1, window_bounds = array<i64: 16, 512, 128>}, {transform_indices = @transform_2, window_bounds = array<i64: 16, 512, 128>}, {transform_indices = @transform_3, window_bounds = array<i64: 16, 512, 128>}, {pipeline_mode = #tpu.pipeline_mode<synchronous>, transform_indices = @transform_4, window_bounds = array<i64: 128, 64>}, {pipeline_mode = #tpu.pipeline_mode<synchronous>, transform_indices = @transform_5, window_bounds = array<i64: 128, 64>}, {pipeline_mode = #tpu.pipeline_mode<synchronous>, transform_indices = @transform_6, window_bounds = array<i64: 128, 64>}, {pipeline_mode = #tpu.pipeline_mode<synchronous>, transform_indices = @transform_7, window_bounds = array<i64: 320, 64>}, {transform_indices = @transform_8, window_bounds = array<i64: 64, 512>}]} {
    %get3A = arith.constant 0 : index
    %get3A_0 = arith.constant 0 : index
    %get3A_1 = vector.load %arg8[%get3A, %get3A_0] : memref<320x64xf32, #tpu.memory_space<vmem>>, vector<128x64xf32>
    %get3A_2 = arith.constant 128 : index
    %get3A_3 = arith.constant 0 : index
    %get3A_4 = vector.load %arg8[%get3A_2, %get3A_3] : memref<320x64xf32, #tpu.memory_space<vmem>>, vector<64x64xf32>
    %get3A_5 = arith.constant 192 : index
    %get3A_6 = arith.constant 0 : index
    %get3A_7 = vector.load %arg8[%get3A_5, %get3A_6] : memref<320x64xf32, #tpu.memory_space<vmem>>, vector<64x64xf32>
    %get3A_8 = arith.constant 256 : index
    %get3A_9 = arith.constant 0 : index
    %get3A_10 = vector.load %arg8[%get3A_8, %get3A_9] : memref<320x64xf32, #tpu.memory_space<vmem>>, vector<64x64xf32>
    %get3A_11 = arith.constant 0 : index
    %get3A_12 = arith.constant 0 : index
    %get3A_13 = vector.load %arg1[%get3A_11, %get3A_12] : memref<512x128xf32, #tpu.memory_space<vmem>>, vector<512x128xf32>
    %dot_general3A = arith.constant dense<0.000000e+00> : vector<64x512xf32>
    %dot_general3A_14 = tpu.matmul %get3A_1, %get3A_13, %dot_general3A {dimension_numbers = #tpu.dot_dimension_numbers<[0], [1], [1], [0], [0, 1, 1, 0], [], []>, transpose_lhs_hint = false} : vector<128x64xf32>, vector<512x128xf32>, vector<64x512xf32> -> vector<64x512xf32>
    %get3A_15 = arith.constant 0 : index
    %get3A_16 = arith.constant 0 : index
    %get3A_17 = arith.constant 0 : index
    %get3A_18 = vector.load %arg2[%get3A_15, %get3A_16, %get3A_17] : memref<16x512x128xf32, #tpu.memory_space<vmem>>, vector<1x512x128xf32>
    %get3A_19 = vector.shape_cast %get3A_18 : vector<1x512x128xf32> to vector<512x128xf32>
    %get3A_20 = arith.constant 1 : index
    %get3A_21 = arith.constant 0 : index
    %get3A_22 = arith.constant 0 : index
    %get3A_23 = vector.load %arg2[%get3A_20, %get3A_21, %get3A_22] : memref<16x512x128xf32, #tpu.memory_space<vmem>>, vector<1x512x128xf32>
    %get3A_24 = vector.shape_cast %get3A_23 : vector<1x512x128xf32> to vector<512x128xf32>
    %add3A = arith.addf %get3A_19, %get3A_24 : vector<512x128xf32>
    %get3A_25 = arith.constant 2 : index
    %get3A_26 = arith.constant 0 : index
    %get3A_27 = arith.constant 0 : index
    %get3A_28 = vector.load %arg2[%get3A_25, %get3A_26, %get3A_27] : memref<16x512x128xf32, #tpu.memory_space<vmem>>, vector<1x512x128xf32>
    %get3A_29 = vector.shape_cast %get3A_28 : vector<1x512x128xf32> to vector<512x128xf32>
    %add3A_30 = arith.addf %add3A, %get3A_29 : vector<512x128xf32>
    %get3A_31 = arith.constant 3 : index
    %get3A_32 = arith.constant 0 : index
    %get3A_33 = arith.constant 0 : index
    %get3A_34 = vector.load %arg2[%get3A_31, %get3A_32, %get3A_33] : memref<16x512x128xf32, #tpu.memory_space<vmem>>, vector<1x512x128xf32>
    %get3A_35 = vector.shape_cast %get3A_34 : vector<1x512x128xf32> to vector<512x128xf32>
    %add3A_36 = arith.addf %add3A_30, %get3A_35 : vector<512x128xf32>
    %get3A_37 = arith.constant 4 : index
    %get3A_38 = arith.constant 0 : index
    %get3A_39 = arith.constant 0 : index
    %get3A_40 = vector.load %arg2[%get3A_37, %get3A_38, %get3A_39] : memref<16x512x128xf32, #tpu.memory_space<vmem>>, vector<1x512x128xf32>
    %get3A_41 = vector.shape_cast %get3A_40 : vector<1x512x128xf32> to vector<512x128xf32>
    %add3A_42 = arith.addf %add3A_36, %get3A_41 : vector<512x128xf32>
    %get3A_43 = arith.constant 5 : index
    %get3A_44 = arith.constant 0 : index
    %get3A_45 = arith.constant 0 : index
    %get3A_46 = vector.load %arg2[%get3A_43, %get3A_44, %get3A_45] : memref<16x512x128xf32, #tpu.memory_space<vmem>>, vector<1x512x128xf32>
    %get3A_47 = vector.shape_cast %get3A_46 : vector<1x512x128xf32> to vector<512x128xf32>
    %add3A_48 = arith.addf %add3A_42, %get3A_47 : vector<512x128xf32>
    %get3A_49 = arith.constant 6 : index
    %get3A_50 = arith.constant 0 : index
    %get3A_51 = arith.constant 0 : index
    %get3A_52 = vector.load %arg2[%get3A_49, %get3A_50, %get3A_51] : memref<16x512x128xf32, #tpu.memory_space<vmem>>, vector<1x512x128xf32>
    %get3A_53 = vector.shape_cast %get3A_52 : vector<1x512x128xf32> to vector<512x128xf32>
    %add3A_54 = arith.addf %add3A_48, %get3A_53 : vector<512x128xf32>
    %get3A_55 = arith.constant 7 : index
    %get3A_56 = arith.constant 0 : index
    %get3A_57 = arith.constant 0 : index
    %get3A_58 = vector.load %arg2[%get3A_55, %get3A_56, %get3A_57] : memref<16x512x128xf32, #tpu.memory_space<vmem>>, vector<1x512x128xf32>
    %get3A_59 = vector.shape_cast %get3A_58 : vector<1x512x128xf32> to vector<512x128xf32>
    %add3A_60 = arith.addf %add3A_54, %get3A_59 : vector<512x128xf32>
    %get3A_61 = arith.constant 8 : index
    %get3A_62 = arith.constant 0 : index
    %get3A_63 = arith.constant 0 : index
    %get3A_64 = vector.load %arg2[%get3A_61, %get3A_62, %get3A_63] : memref<16x512x128xf32, #tpu.memory_space<vmem>>, vector<1x512x128xf32>
    %get3A_65 = vector.shape_cast %get3A_64 : vector<1x512x128xf32> to vector<512x128xf32>
    %add3A_66 = arith.addf %add3A_60, %get3A_65 : vector<512x128xf32>
    %get3A_67 = arith.constant 9 : index
    %get3A_68 = arith.constant 0 : index
    %get3A_69 = arith.constant 0 : index
    %get3A_70 = vector.load %arg2[%get3A_67, %get3A_68, %get3A_69] : memref<16x512x128xf32, #tpu.memory_space<vmem>>, vector<1x512x128xf32>
    %get3A_71 = vector.shape_cast %get3A_70 : vector<1x512x128xf32> to vector<512x128xf32>
    %add3A_72 = arith.addf %add3A_66, %get3A_71 : vector<512x128xf32>
    %get3A_73 = arith.constant 10 : index
    %get3A_74 = arith.constant 0 : index
    %get3A_75 = arith.constant 0 : index
    %get3A_76 = vector.load %arg2[%get3A_73, %get3A_74, %get3A_75] : memref<16x512x128xf32, #tpu.memory_space<vmem>>, vector<1x512x128xf32>
    %get3A_77 = vector.shape_cast %get3A_76 : vector<1x512x128xf32> to vector<512x128xf32>
    %add3A_78 = arith.addf %add3A_72, %get3A_77 : vector<512x128xf32>
    %get3A_79 = arith.constant 11 : index
    %get3A_80 = arith.constant 0 : index
    %get3A_81 = arith.constant 0 : index
    %get3A_82 = vector.load %arg2[%get3A_79, %get3A_80, %get3A_81] : memref<16x512x128xf32, #tpu.memory_space<vmem>>, vector<1x512x128xf32>
    %get3A_83 = vector.shape_cast %get3A_82 : vector<1x512x128xf32> to vector<512x128xf32>
    %add3A_84 = arith.addf %add3A_78, %get3A_83 : vector<512x128xf32>
    %get3A_85 = arith.constant 12 : index
    %get3A_86 = arith.constant 0 : index
    %get3A_87 = arith.constant 0 : index
    %get3A_88 = vector.load %arg2[%get3A_85, %get3A_86, %get3A_87] : memref<16x512x128xf32, #tpu.memory_space<vmem>>, vector<1x512x128xf32>
    %get3A_89 = vector.shape_cast %get3A_88 : vector<1x512x128xf32> to vector<512x128xf32>
    %add3A_90 = arith.addf %add3A_84, %get3A_89 : vector<512x128xf32>
    %get3A_91 = arith.constant 13 : index
    %get3A_92 = arith.constant 0 : index
    %get3A_93 = arith.constant 0 : index
    %get3A_94 = vector.load %arg2[%get3A_91, %get3A_92, %get3A_93] : memref<16x512x128xf32, #tpu.memory_space<vmem>>, vector<1x512x128xf32>
    %get3A_95 = vector.shape_cast %get3A_94 : vector<1x512x128xf32> to vector<512x128xf32>
    %add3A_96 = arith.addf %add3A_90, %get3A_95 : vector<512x128xf32>
    %get3A_97 = arith.constant 14 : index
    %get3A_98 = arith.constant 0 : index
    %get3A_99 = arith.constant 0 : index
    %get3A_100 = vector.load %arg2[%get3A_97, %get3A_98, %get3A_99] : memref<16x512x128xf32, #tpu.memory_space<vmem>>, vector<1x512x128xf32>
    %get3A_101 = vector.shape_cast %get3A_100 : vector<1x512x128xf32> to vector<512x128xf32>
    %add3A_102 = arith.addf %add3A_96, %get3A_101 : vector<512x128xf32>
    %get3A_103 = arith.constant 15 : index
    %get3A_104 = arith.constant 0 : index
    %get3A_105 = arith.constant 0 : index
    %get3A_106 = vector.load %arg2[%get3A_103, %get3A_104, %get3A_105] : memref<16x512x128xf32, #tpu.memory_space<vmem>>, vector<1x512x128xf32>
    %get3A_107 = vector.shape_cast %get3A_106 : vector<1x512x128xf32> to vector<512x128xf32>
    %add3A_108 = arith.addf %add3A_102, %get3A_107 : vector<512x128xf32>
    %get3A_109 = arith.constant 0 : index
    %get3A_110 = arith.constant 0 : index
    %get3A_111 = vector.load %arg5[%get3A_109, %get3A_110] : memref<128x64xf32, #tpu.memory_space<vmem>>, vector<128x64xf32>
    %dot_general3A_112 = arith.constant dense<0.000000e+00> : vector<64x512xf32>
    %dot_general3A_113 = tpu.matmul %get3A_111, %add3A_108, %dot_general3A_112 {dimension_numbers = #tpu.dot_dimension_numbers<[0], [1], [1], [0], [0, 1, 1, 0], [], []>, transpose_lhs_hint = false} : vector<128x64xf32>, vector<512x128xf32>, vector<64x512xf32> -> vector<64x512xf32>
    %max3A = arith.constant 0.000000e+00 : f32
    %max3A_114 = vector.broadcast %max3A : f32 to vector<64x512xf32>
    %max3A_115 = arith.maximumf %dot_general3A_113, %max3A_114 : vector<64x512xf32>
    %dot_general3A_116 = arith.constant dense<0.000000e+00> : vector<64x512xf32>
    %dot_general3A_117 = tpu.matmul %get3A_4, %max3A_115, %dot_general3A_116 {dimension_numbers = #tpu.dot_dimension_numbers<[0], [0], [1], [1], [0, 1, 1, 1], [], []>, transpose_lhs_hint = false} : vector<64x64xf32>, vector<64x512xf32>, vector<64x512xf32> -> vector<64x512xf32>
    %add3A_118 = arith.addf %dot_general3A_14, %dot_general3A_117 : vector<64x512xf32>
    %get3A_119 = arith.constant 0 : index
    %get3A_120 = arith.constant 0 : index
    %get3A_121 = arith.constant 0 : index
    %get3A_122 = vector.load %arg3[%get3A_119, %get3A_120, %get3A_121] : memref<16x512x128xf32, #tpu.memory_space<vmem>>, vector<1x512x128xf32>
    %get3A_123 = vector.shape_cast %get3A_122 : vector<1x512x128xf32> to vector<512x128xf32>
    %get3A_124 = arith.constant 1 : index
    %get3A_125 = arith.constant 0 : index
    %get3A_126 = arith.constant 0 : index
    %get3A_127 = vector.load %arg3[%get3A_124, %get3A_125, %get3A_126] : memref<16x512x128xf32, #tpu.memory_space<vmem>>, vector<1x512x128xf32>
    %get3A_128 = vector.shape_cast %get3A_127 : vector<1x512x128xf32> to vector<512x128xf32>
    %add3A_129 = arith.addf %get3A_123, %get3A_128 : vector<512x128xf32>
    %get3A_130 = arith.constant 2 : index
    %get3A_131 = arith.constant 0 : index
    %get3A_132 = arith.constant 0 : index
    %get3A_133 = vector.load %arg3[%get3A_130, %get3A_131, %get3A_132] : memref<16x512x128xf32, #tpu.memory_space<vmem>>, vector<1x512x128xf32>
    %get3A_134 = vector.shape_cast %get3A_133 : vector<1x512x128xf32> to vector<512x128xf32>
    %add3A_135 = arith.addf %add3A_129, %get3A_134 : vector<512x128xf32>
    %get3A_136 = arith.constant 3 : index
    %get3A_137 = arith.constant 0 : index
    %get3A_138 = arith.constant 0 : index
    %get3A_139 = vector.load %arg3[%get3A_136, %get3A_137, %get3A_138] : memref<16x512x128xf32, #tpu.memory_space<vmem>>, vector<1x512x128xf32>
    %get3A_140 = vector.shape_cast %get3A_139 : vector<1x512x128xf32> to vector<512x128xf32>
    %add3A_141 = arith.addf %add3A_135, %get3A_140 : vector<512x128xf32>
    %get3A_142 = arith.constant 4 : index
    %get3A_143 = arith.constant 0 : index
    %get3A_144 = arith.constant 0 : index
    %get3A_145 = vector.load %arg3[%get3A_142, %get3A_143, %get3A_144] : memref<16x512x128xf32, #tpu.memory_space<vmem>>, vector<1x512x128xf32>
    %get3A_146 = vector.shape_cast %get3A_145 : vector<1x512x128xf32> to vector<512x128xf32>
    %add3A_147 = arith.addf %add3A_141, %get3A_146 : vector<512x128xf32>
    %get3A_148 = arith.constant 5 : index
    %get3A_149 = arith.constant 0 : index
    %get3A_150 = arith.constant 0 : index
    %get3A_151 = vector.load %arg3[%get3A_148, %get3A_149, %get3A_150] : memref<16x512x128xf32, #tpu.memory_space<vmem>>, vector<1x512x128xf32>
    %get3A_152 = vector.shape_cast %get3A_151 : vector<1x512x128xf32> to vector<512x128xf32>
    %add3A_153 = arith.addf %add3A_147, %get3A_152 : vector<512x128xf32>
    %get3A_154 = arith.constant 6 : index
    %get3A_155 = arith.constant 0 : index
    %get3A_156 = arith.constant 0 : index
    %get3A_157 = vector.load %arg3[%get3A_154, %get3A_155, %get3A_156] : memref<16x512x128xf32, #tpu.memory_space<vmem>>, vector<1x512x128xf32>
    %get3A_158 = vector.shape_cast %get3A_157 : vector<1x512x128xf32> to vector<512x128xf32>
    %add3A_159 = arith.addf %add3A_153, %get3A_158 : vector<512x128xf32>
    %get3A_160 = arith.constant 7 : index
    %get3A_161 = arith.constant 0 : index
    %get3A_162 = arith.constant 0 : index
    %get3A_163 = vector.load %arg3[%get3A_160, %get3A_161, %get3A_162] : memref<16x512x128xf32, #tpu.memory_space<vmem>>, vector<1x512x128xf32>
    %get3A_164 = vector.shape_cast %get3A_163 : vector<1x512x128xf32> to vector<512x128xf32>
    %add3A_165 = arith.addf %add3A_159, %get3A_164 : vector<512x128xf32>
    %get3A_166 = arith.constant 8 : index
    %get3A_167 = arith.constant 0 : index
    %get3A_168 = arith.constant 0 : index
    %get3A_169 = vector.load %arg3[%get3A_166, %get3A_167, %get3A_168] : memref<16x512x128xf32, #tpu.memory_space<vmem>>, vector<1x512x128xf32>
    %get3A_170 = vector.shape_cast %get3A_169 : vector<1x512x128xf32> to vector<512x128xf32>
    %add3A_171 = arith.addf %add3A_165, %get3A_170 : vector<512x128xf32>
    %get3A_172 = arith.constant 9 : index
    %get3A_173 = arith.constant 0 : index
    %get3A_174 = arith.constant 0 : index
    %get3A_175 = vector.load %arg3[%get3A_172, %get3A_173, %get3A_174] : memref<16x512x128xf32, #tpu.memory_space<vmem>>, vector<1x512x128xf32>
    %get3A_176 = vector.shape_cast %get3A_175 : vector<1x512x128xf32> to vector<512x128xf32>
    %add3A_177 = arith.addf %add3A_171, %get3A_176 : vector<512x128xf32>
    %get3A_178 = arith.constant 10 : index
    %get3A_179 = arith.constant 0 : index
    %get3A_180 = arith.constant 0 : index
    %get3A_181 = vector.load %arg3[%get3A_178, %get3A_179, %get3A_180] : memref<16x512x128xf32, #tpu.memory_space<vmem>>, vector<1x512x128xf32>
    %get3A_182 = vector.shape_cast %get3A_181 : vector<1x512x128xf32> to vector<512x128xf32>
    %add3A_183 = arith.addf %add3A_177, %get3A_182 : vector<512x128xf32>
    %get3A_184 = arith.constant 11 : index
    %get3A_185 = arith.constant 0 : index
    %get3A_186 = arith.constant 0 : index
    %get3A_187 = vector.load %arg3[%get3A_184, %get3A_185, %get3A_186] : memref<16x512x128xf32, #tpu.memory_space<vmem>>, vector<1x512x128xf32>
    %get3A_188 = vector.shape_cast %get3A_187 : vector<1x512x128xf32> to vector<512x128xf32>
    %add3A_189 = arith.addf %add3A_183, %get3A_188 : vector<512x128xf32>
    %get3A_190 = arith.constant 12 : index
    %get3A_191 = arith.constant 0 : index
    %get3A_192 = arith.constant 0 : index
    %get3A_193 = vector.load %arg3[%get3A_190, %get3A_191, %get3A_192] : memref<16x512x128xf32, #tpu.memory_space<vmem>>, vector<1x512x128xf32>
    %get3A_194 = vector.shape_cast %get3A_193 : vector<1x512x128xf32> to vector<512x128xf32>
    %add3A_195 = arith.addf %add3A_189, %get3A_194 : vector<512x128xf32>
    %get3A_196 = arith.constant 13 : index
    %get3A_197 = arith.constant 0 : index
    %get3A_198 = arith.constant 0 : index
    %get3A_199 = vector.load %arg3[%get3A_196, %get3A_197, %get3A_198] : memref<16x512x128xf32, #tpu.memory_space<vmem>>, vector<1x512x128xf32>
    %get3A_200 = vector.shape_cast %get3A_199 : vector<1x512x128xf32> to vector<512x128xf32>
    %add3A_201 = arith.addf %add3A_195, %get3A_200 : vector<512x128xf32>
    %get3A_202 = arith.constant 14 : index
    %get3A_203 = arith.constant 0 : index
    %get3A_204 = arith.constant 0 : index
    %get3A_205 = vector.load %arg3[%get3A_202, %get3A_203, %get3A_204] : memref<16x512x128xf32, #tpu.memory_space<vmem>>, vector<1x512x128xf32>
    %get3A_206 = vector.shape_cast %get3A_205 : vector<1x512x128xf32> to vector<512x128xf32>
    %add3A_207 = arith.addf %add3A_201, %get3A_206 : vector<512x128xf32>
    %get3A_208 = arith.constant 15 : index
    %get3A_209 = arith.constant 0 : index
    %get3A_210 = arith.constant 0 : index
    %get3A_211 = vector.load %arg3[%get3A_208, %get3A_209, %get3A_210] : memref<16x512x128xf32, #tpu.memory_space<vmem>>, vector<1x512x128xf32>
    %get3A_212 = vector.shape_cast %get3A_211 : vector<1x512x128xf32> to vector<512x128xf32>
    %add3A_213 = arith.addf %add3A_207, %get3A_212 : vector<512x128xf32>
    %get3A_214 = arith.constant 0 : index
    %get3A_215 = arith.constant 0 : index
    %get3A_216 = vector.load %arg6[%get3A_214, %get3A_215] : memref<128x64xf32, #tpu.memory_space<vmem>>, vector<128x64xf32>
    %dot_general3A_217 = arith.constant dense<0.000000e+00> : vector<64x512xf32>
    %dot_general3A_218 = tpu.matmul %get3A_216, %add3A_213, %dot_general3A_217 {dimension_numbers = #tpu.dot_dimension_numbers<[0], [1], [1], [0], [0, 1, 1, 0], [], []>, transpose_lhs_hint = false} : vector<128x64xf32>, vector<512x128xf32>, vector<64x512xf32> -> vector<64x512xf32>
    %max3A_219 = arith.constant 0.000000e+00 : f32
    %max3A_220 = vector.broadcast %max3A_219 : f32 to vector<64x512xf32>
    %max3A_221 = arith.maximumf %dot_general3A_218, %max3A_220 : vector<64x512xf32>
    %dot_general3A_222 = arith.constant dense<0.000000e+00> : vector<64x512xf32>
    %dot_general3A_223 = tpu.matmul %get3A_7, %max3A_221, %dot_general3A_222 {dimension_numbers = #tpu.dot_dimension_numbers<[0], [0], [1], [1], [0, 1, 1, 1], [], []>, transpose_lhs_hint = false} : vector<64x64xf32>, vector<64x512xf32>, vector<64x512xf32> -> vector<64x512xf32>
    %add3A_224 = arith.addf %add3A_118, %dot_general3A_223 : vector<64x512xf32>
    %get3A_225 = arith.constant 0 : index
    %get3A_226 = arith.constant 0 : index
    %get3A_227 = arith.constant 0 : index
    %get3A_228 = vector.load %arg4[%get3A_225, %get3A_226, %get3A_227] : memref<16x512x128xf32, #tpu.memory_space<vmem>>, vector<1x512x128xf32>
    %get3A_229 = vector.shape_cast %get3A_228 : vector<1x512x128xf32> to vector<512x128xf32>
    %get3A_230 = arith.constant 1 : index
    %get3A_231 = arith.constant 0 : index
    %get3A_232 = arith.constant 0 : index
    %get3A_233 = vector.load %arg4[%get3A_230, %get3A_231, %get3A_232] : memref<16x512x128xf32, #tpu.memory_space<vmem>>, vector<1x512x128xf32>
    %get3A_234 = vector.shape_cast %get3A_233 : vector<1x512x128xf32> to vector<512x128xf32>
    %add3A_235 = arith.addf %get3A_229, %get3A_234 : vector<512x128xf32>
    %get3A_236 = arith.constant 2 : index
    %get3A_237 = arith.constant 0 : index
    %get3A_238 = arith.constant 0 : index
    %get3A_239 = vector.load %arg4[%get3A_236, %get3A_237, %get3A_238] : memref<16x512x128xf32, #tpu.memory_space<vmem>>, vector<1x512x128xf32>
    %get3A_240 = vector.shape_cast %get3A_239 : vector<1x512x128xf32> to vector<512x128xf32>
    %add3A_241 = arith.addf %add3A_235, %get3A_240 : vector<512x128xf32>
    %get3A_242 = arith.constant 3 : index
    %get3A_243 = arith.constant 0 : index
    %get3A_244 = arith.constant 0 : index
    %get3A_245 = vector.load %arg4[%get3A_242, %get3A_243, %get3A_244] : memref<16x512x128xf32, #tpu.memory_space<vmem>>, vector<1x512x128xf32>
    %get3A_246 = vector.shape_cast %get3A_245 : vector<1x512x128xf32> to vector<512x128xf32>
    %add3A_247 = arith.addf %add3A_241, %get3A_246 : vector<512x128xf32>
    %get3A_248 = arith.constant 4 : index
    %get3A_249 = arith.constant 0 : index
    %get3A_250 = arith.constant 0 : index
    %get3A_251 = vector.load %arg4[%get3A_248, %get3A_249, %get3A_250] : memref<16x512x128xf32, #tpu.memory_space<vmem>>, vector<1x512x128xf32>
    %get3A_252 = vector.shape_cast %get3A_251 : vector<1x512x128xf32> to vector<512x128xf32>
    %add3A_253 = arith.addf %add3A_247, %get3A_252 : vector<512x128xf32>
    %get3A_254 = arith.constant 5 : index
    %get3A_255 = arith.constant 0 : index
    %get3A_256 = arith.constant 0 : index
    %get3A_257 = vector.load %arg4[%get3A_254, %get3A_255, %get3A_256] : memref<16x512x128xf32, #tpu.memory_space<vmem>>, vector<1x512x128xf32>
    %get3A_258 = vector.shape_cast %get3A_257 : vector<1x512x128xf32> to vector<512x128xf32>
    %add3A_259 = arith.addf %add3A_253, %get3A_258 : vector<512x128xf32>
    %get3A_260 = arith.constant 6 : index
    %get3A_261 = arith.constant 0 : index
    %get3A_262 = arith.constant 0 : index
    %get3A_263 = vector.load %arg4[%get3A_260, %get3A_261, %get3A_262] : memref<16x512x128xf32, #tpu.memory_space<vmem>>, vector<1x512x128xf32>
    %get3A_264 = vector.shape_cast %get3A_263 : vector<1x512x128xf32> to vector<512x128xf32>
    %add3A_265 = arith.addf %add3A_259, %get3A_264 : vector<512x128xf32>
    %get3A_266 = arith.constant 7 : index
    %get3A_267 = arith.constant 0 : index
    %get3A_268 = arith.constant 0 : index
    %get3A_269 = vector.load %arg4[%get3A_266, %get3A_267, %get3A_268] : memref<16x512x128xf32, #tpu.memory_space<vmem>>, vector<1x512x128xf32>
    %get3A_270 = vector.shape_cast %get3A_269 : vector<1x512x128xf32> to vector<512x128xf32>
    %add3A_271 = arith.addf %add3A_265, %get3A_270 : vector<512x128xf32>
    %get3A_272 = arith.constant 8 : index
    %get3A_273 = arith.constant 0 : index
    %get3A_274 = arith.constant 0 : index
    %get3A_275 = vector.load %arg4[%get3A_272, %get3A_273, %get3A_274] : memref<16x512x128xf32, #tpu.memory_space<vmem>>, vector<1x512x128xf32>
    %get3A_276 = vector.shape_cast %get3A_275 : vector<1x512x128xf32> to vector<512x128xf32>
    %add3A_277 = arith.addf %add3A_271, %get3A_276 : vector<512x128xf32>
    %get3A_278 = arith.constant 9 : index
    %get3A_279 = arith.constant 0 : index
    %get3A_280 = arith.constant 0 : index
    %get3A_281 = vector.load %arg4[%get3A_278, %get3A_279, %get3A_280] : memref<16x512x128xf32, #tpu.memory_space<vmem>>, vector<1x512x128xf32>
    %get3A_282 = vector.shape_cast %get3A_281 : vector<1x512x128xf32> to vector<512x128xf32>
    %add3A_283 = arith.addf %add3A_277, %get3A_282 : vector<512x128xf32>
    %get3A_284 = arith.constant 10 : index
    %get3A_285 = arith.constant 0 : index
    %get3A_286 = arith.constant 0 : index
    %get3A_287 = vector.load %arg4[%get3A_284, %get3A_285, %get3A_286] : memref<16x512x128xf32, #tpu.memory_space<vmem>>, vector<1x512x128xf32>
    %get3A_288 = vector.shape_cast %get3A_287 : vector<1x512x128xf32> to vector<512x128xf32>
    %add3A_289 = arith.addf %add3A_283, %get3A_288 : vector<512x128xf32>
    %get3A_290 = arith.constant 11 : index
    %get3A_291 = arith.constant 0 : index
    %get3A_292 = arith.constant 0 : index
    %get3A_293 = vector.load %arg4[%get3A_290, %get3A_291, %get3A_292] : memref<16x512x128xf32, #tpu.memory_space<vmem>>, vector<1x512x128xf32>
    %get3A_294 = vector.shape_cast %get3A_293 : vector<1x512x128xf32> to vector<512x128xf32>
    %add3A_295 = arith.addf %add3A_289, %get3A_294 : vector<512x128xf32>
    %get3A_296 = arith.constant 12 : index
    %get3A_297 = arith.constant 0 : index
    %get3A_298 = arith.constant 0 : index
    %get3A_299 = vector.load %arg4[%get3A_296, %get3A_297, %get3A_298] : memref<16x512x128xf32, #tpu.memory_space<vmem>>, vector<1x512x128xf32>
    %get3A_300 = vector.shape_cast %get3A_299 : vector<1x512x128xf32> to vector<512x128xf32>
    %add3A_301 = arith.addf %add3A_295, %get3A_300 : vector<512x128xf32>
    %get3A_302 = arith.constant 13 : index
    %get3A_303 = arith.constant 0 : index
    %get3A_304 = arith.constant 0 : index
    %get3A_305 = vector.load %arg4[%get3A_302, %get3A_303, %get3A_304] : memref<16x512x128xf32, #tpu.memory_space<vmem>>, vector<1x512x128xf32>
    %get3A_306 = vector.shape_cast %get3A_305 : vector<1x512x128xf32> to vector<512x128xf32>
    %add3A_307 = arith.addf %add3A_301, %get3A_306 : vector<512x128xf32>
    %get3A_308 = arith.constant 14 : index
    %get3A_309 = arith.constant 0 : index
    %get3A_310 = arith.constant 0 : index
    %get3A_311 = vector.load %arg4[%get3A_308, %get3A_309, %get3A_310] : memref<16x512x128xf32, #tpu.memory_space<vmem>>, vector<1x512x128xf32>
    %get3A_312 = vector.shape_cast %get3A_311 : vector<1x512x128xf32> to vector<512x128xf32>
    %add3A_313 = arith.addf %add3A_307, %get3A_312 : vector<512x128xf32>
    %get3A_314 = arith.constant 15 : index
    %get3A_315 = arith.constant 0 : index
    %get3A_316 = arith.constant 0 : index
    %get3A_317 = vector.load %arg4[%get3A_314, %get3A_315, %get3A_316] : memref<16x512x128xf32, #tpu.memory_space<vmem>>, vector<1x512x128xf32>
    %get3A_318 = vector.shape_cast %get3A_317 : vector<1x512x128xf32> to vector<512x128xf32>
    %add3A_319 = arith.addf %add3A_313, %get3A_318 : vector<512x128xf32>
    %get3A_320 = arith.constant 0 : index
    %get3A_321 = arith.constant 0 : index
    %get3A_322 = vector.load %arg7[%get3A_320, %get3A_321] : memref<128x64xf32, #tpu.memory_space<vmem>>, vector<128x64xf32>
    %dot_general3A_323 = arith.constant dense<0.000000e+00> : vector<64x512xf32>
    %dot_general3A_324 = tpu.matmul %get3A_322, %add3A_319, %dot_general3A_323 {dimension_numbers = #tpu.dot_dimension_numbers<[0], [1], [1], [0], [0, 1, 1, 0], [], []>, transpose_lhs_hint = false} : vector<128x64xf32>, vector<512x128xf32>, vector<64x512xf32> -> vector<64x512xf32>
    %max3A_325 = arith.constant 0.000000e+00 : f32
    %max3A_326 = vector.broadcast %max3A_325 : f32 to vector<64x512xf32>
    %max3A_327 = arith.maximumf %dot_general3A_324, %max3A_326 : vector<64x512xf32>
    %dot_general3A_328 = arith.constant dense<0.000000e+00> : vector<64x512xf32>
    %dot_general3A_329 = tpu.matmul %get3A_10, %max3A_327, %dot_general3A_328 {dimension_numbers = #tpu.dot_dimension_numbers<[0], [0], [1], [1], [0, 1, 1, 1], [], []>, transpose_lhs_hint = false} : vector<64x64xf32>, vector<64x512xf32>, vector<64x512xf32> -> vector<64x512xf32>
    %add3A_330 = arith.addf %add3A_224, %dot_general3A_329 : vector<64x512xf32>
    %max3A_331 = arith.constant 0.000000e+00 : f32
    %max3A_332 = vector.broadcast %max3A_331 : f32 to vector<64x512xf32>
    %max3A_333 = arith.maximumf %add3A_330, %max3A_332 : vector<64x512xf32>
    %swap3A = arith.constant 0 : index
    %swap3A_334 = arith.constant 0 : index
    %swap3A_335 = vector.load %arg9[%swap3A, %swap3A_334] : memref<64x512xf32, #tpu.memory_space<vmem>>, vector<64x512xf32>
    tpu.vector_store %arg9[%swap3A, %swap3A_334], %max3A_333 {strides = array<i32>} : memref<64x512xf32, #tpu.memory_space<vmem>>, vector<64x512xf32>,
    return
  }
  func.func @transform_0(%arg0: i32) -> (i32, i32) {
    %c0_i32 = arith.constant 0 : i32
    %c0_i32_0 = arith.constant 0 : i32
    return %arg0, %c0_i32 : i32, i32
  }
  func.func @transform_1(%arg0: i32) -> (i32, i32, i32) {
    %c0_i32 = arith.constant 0 : i32
    %c0_i32_0 = arith.constant 0 : i32
    %c0_i32_1 = arith.constant 0 : i32
    return %c0_i32, %arg0, %c0_i32_0 : i32, i32, i32
  }
  func.func @transform_2(%arg0: i32) -> (i32, i32, i32) {
    %c0_i32 = arith.constant 0 : i32
    %c0_i32_0 = arith.constant 0 : i32
    %c0_i32_1 = arith.constant 0 : i32
    return %c0_i32, %arg0, %c0_i32_0 : i32, i32, i32
  }
  func.func @transform_3(%arg0: i32) -> (i32, i32, i32) {
    %c0_i32 = arith.constant 0 : i32
    %c0_i32_0 = arith.constant 0 : i32
    %c0_i32_1 = arith.constant 0 : i32
    return %c0_i32, %arg0, %c0_i32_0 : i32, i32, i32
  }
  func.func @transform_4(%arg0: i32) -> (i32, i32) {
    %c0_i32 = arith.constant 0 : i32
    %c0_i32_0 = arith.constant 0 : i32
    %c0_i32_1 = arith.constant 0 : i32
    return %c0_i32, %c0_i32_0 : i32, i32
  }
  func.func @transform_5(%arg0: i32) -> (i32, i32) {
    %c0_i32 = arith.constant 0 : i32
    %c0_i32_0 = arith.constant 0 : i32
    %c0_i32_1 = arith.constant 0 : i32
    return %c0_i32, %c0_i32_0 : i32, i32
  }
  func.func @transform_6(%arg0: i32) -> (i32, i32) {
    %c0_i32 = arith.constant 0 : i32
    %c0_i32_0 = arith.constant 0 : i32
    %c0_i32_1 = arith.constant 0 : i32
    return %c0_i32, %c0_i32_0 : i32, i32
  }
  func.func @transform_7(%arg0: i32) -> (i32, i32) {
    %c0_i32 = arith.constant 0 : i32
    %c0_i32_0 = arith.constant 0 : i32
    %c0_i32_1 = arith.constant 0 : i32
    return %c0_i32, %c0_i32_0 : i32, i32
  }
  func.func @transform_8(%arg0: i32) -> (i32, i32) {
    %c0_i32 = arith.constant 0 : i32
    %c0_i32_0 = arith.constant 0 : i32
    return %c0_i32, %arg0 : i32, i32
  }
}

</mosaic_0001>

<sc_bundles>
// kernel: kernel.10.cloned.1.call-start
scs
__scs_entry_jumppad:
0x0: {  	(pc) =	sbr.rel $0x88, $3  }
0x1: {  	(tag) =	ssettag $0x0;
	lr =	simm.s32 $0x1  }
0x2: {  	[smem:$0x3F96] =	sst lr;
	_ =	strace $0xD0000000  }
0x3: {  	_ = 	snop  }
0x4: {  	_ = 	snop  }
0x5: {  	_ = 	snop  }
0x6: {  	_ = 	snop  }
0x7: {  	_ = 	snop  }
__scs_overlays_trampoline_lowered:
0x8: {  	[smem:$0x3FA5] =	sst s0  }
0x9: {  	[smem:$0x3FA6] =	sst s1  }
0xa: {  	[smem:$0x3FA7] =	sst s2  }
0xb: {  	[smem:$0x3FA8] =	sst s3  }
0xc: {  	[smem:$0x3FA9] =	sst s4  }
0xd: {  	[smem:$0x3FAA] =	sst s5  }
0xe: {  	[smem:$0x3FAB] =	sst s6  }
0xf: {  	[smem:$0x3FAC] =	sst s7  }
0x10: {  	[smem:$0x3FAD] =	sst s8  }
0x11: {  	[smem:$0x3FAE] =	sst s9;
	s0 =	simm.s32 @!p0 $0x0  }
0x12: {  	s1 =	sld [smem:$0x3F94];
	s0 =	simm.s32 @p0 $0x1  }
0x13: {  	[smem:$0x3FAF] =	sst s0;
	s0 =	simm.s32 @!p1 $0x0  }
0x14: {  	s2 =	sld [smem:$0x3F93];
	s0 =	simm.s32 @p1 $0x1  }
0x15: {  	[smem:$0x3FB0] =	sst s0;
	s0 =	simm.s32 @!p2 $0x0  }
0x16: {  	s3 =	sld [smem:$0x3FDB];
	s0 =	simm.s32 @p2 $0x1  }
0x17: {  	s4 =	simm.s32 $0x1BF5;
	[smem:$0x3FB2] =	sst s0  }
0x18: {  	s0 =	sld [smem:$0x3F95];
	_ =	swait.ge [sflag:s4], $0x0  }
0x19: {  	s7 =	sld [smem:$0x3F96]  }
0x1a: {  	s8 =	sadd.s32 $0xFFFFE003, lr  }
0x1b: {  	s9 =	sadd.s32 $0xFFFFFEF7, lr;
	s5 =	simm.s32 $0xFFFFFFFF;
	p2 =	slt.u32 s8, $0xFFFFF086  }
0x1c: {  	p1 =	slt.u32 s9, $0xF7A;
	s5 =	simm.s32 @!p2 $0x0  }
0x1d: {  	s5 =	simm.s32 @p1 $0x1;
	p0 =	seq.s32 s7, s2  }
0x1e: {  	s7 =	smul.u32 @!p0 $0xF7A, s2;
	p2 =	seq.s32 @!p0 s5, $0x0  }
0x1f: {  	s9 =	smul.u32 $0xF7A, s1;
	s8 =	simm.s32 @!p0 $0x1BF5;
	p2 =	por !p2, p0  }
0x20: {  	[sflag:s8] =	ssyncset.s32 @!p0 $0xFFFFF086;
	s6 =	sadd.s32 @!p0 s3, s7;
	s7 =	simm.s32 @!p0 $0x108  }
0x21: {  	s3 =	sadd.s32 s3, s9;
	s6 =	sadd.s32 @!p0 $0x88, s6;
	s7 =	simm.s32 @p2 $0x1082  }
0x22: {  	[simem:s7], [sflag:s8] =	dma.local @!p0 [hbm:s6], $0xF7A  }
0x23: {  	s9 =	sor.u32 $0xD0000000, s2;
	s6 =	simm.s32 $0x108;
	_ =	swait.ge @!p0 [sflag:s8], $0x0  }
0x24: {  	s3 =	sadd.s32 $0x88, s3;
	s6 =	simm.s32 @!p1 $0x1082;
	[sflag:s4] =	ssyncset.s32 $0xFFFFF086  }
0x25: {  	[simem:s6], [sflag:s4] =	dma.local [hbm:s3], $0xF7A  }
0x26: {  	[smem:$0x3F96] =	sst s1;
	(tag) =	ssettag s2;
	_ =	strace s9  }
0x27: {  	s1 =	sld [smem:$0x3FA6]  }
0x28: {  	s2 =	sld [smem:$0x3FA7]  }
0x29: {  	s4 =	sld [smem:$0x3FA9]  }
0x2a: {  	p0 =	seq.s32 s5, $0x0;
	s5 =	sld [smem:$0x3FAA]  }
0x2b: {  	s6 =	sld [smem:$0x3FAB]  }
0x2c: {  	s7 =	sld [smem:$0x3FAC]  }
0x2d: {  	s3 =	simm.s32 $0x108;
	s8 =	sld [smem:$0x3FAD]  }
0x2e: {  	s3 =	simm.s32 @!p0 $0x1082;
	s9 =	sld [smem:$0x3FAE]  }
0x2f: {  	lr =	sadd.s32 s0, s3;
	s0 =	sld [smem:$0x3FA5]  }
0x30: {  	s3 =	sld [smem:$0x3FA8]  }
0x31: {  	[smem:$0x3FB1] =	sst s10  }
0x32: {  	s10 =	sld [smem:$0x3FAF];
	_ =	sdelay $0x3  }
0x33: {  	p0 =	seq.s32 s10, $0x1;
	s10 =	sld [smem:$0x3FB1];
	_ =	sdelay $0x3  }
0x34: {  	[smem:$0x3FB1] =	sst s10  }
0x35: {  	s10 =	sld [smem:$0x3FB0];
	_ =	sdelay $0x3  }
0x36: {  	p1 =	seq.s32 s10, $0x1;
	s10 =	sld [smem:$0x3FB1];
	_ =	sdelay $0x3  }
0x37: {  	[smem:$0x3FB1] =	sst s10  }
0x38: {  	s10 =	sld [smem:$0x3FB2]  }
0x39: {  	_ = 	snop;
	(pc) =	sbr.ind lr, $3  }
0x3a: {  	_ = 	snop  }
0x3b: {  	_ = 	snop  }
0x3c: {  	p2 =	seq.s32 s10, $0x1;
	s10 =	sld [smem:$0x3FB1]  }
0x3d: {  	_ =	shalt  }
0x3e: {  	_ =	shalt  }
0x3f: {  	_ =	shalt  }
0x40: {  	_ =	shalt  }
0x41: {  	_ =	shalt  }
0x42: {  	_ =	shalt  }
0x43: {  	_ =	shalt  }
0x44: {  	_ =	shalt  }
0x45: {  	_ =	shalt  }
0x46: {  	_ =	shalt  }
0x47: {  	_ =	shalt  }
0x48: {  	_ =	shalt  }
0x49: {  	_ =	shalt  }
0x4a: {  	_ =	shalt  }
0x4b: {  	_ =	shalt  }
0x4c: {  	_ =	shalt  }
0x4d: {  	_ =	shalt  }
0x4e: {  	_ =	shalt  }
0x4f: {  	_ =	shalt  }
0x50: {  	_ =	shalt  }
0x51: {  	_ =	shalt  }
0x52: {  	_ =	shalt  }
0x53: {  	_ =	shalt  }
0x54: {  	_ =	shalt  }
0x55: {  	_ =	shalt  }
0x56: {  	_ =	shalt  }
0x57: {  	_ =	shalt  }
0x58: {  	_ =	shalt  }
0x59: {  	_ =	shalt  }
0x5a: {  	_ =	shalt  }
0x5b: {  	_ =	shalt  }
0x5c: {  	_ =	shalt  }
0x5d: {  	_ =	shalt  }
0x5e: {  	_ =	shalt  }
0x5f: {  	_ =	shalt  }
0x60: {  	_ =	shalt  }
0x61: {  	_ =	shalt  }
0x62: {  	_ =	shalt  }
0x63: {  	_ =	shalt  }
0x64: {  	_ =	shalt  }
0x65: {  	_ =	shalt  }
0x66: {  	_ =	shalt  }
0x67: {  	_ =	shalt  }
0x68: {  	_ =	shalt  }
0x69: {  	_ =	shalt  }
0x6a: {  	_ =	shalt  }
0x6b: {  	_ =	shalt  }
0x6c: {  	_ =	shalt  }
0x6d: {  	_ =	shalt  }
0x6e: {  	_ =	shalt  }
0x6f: {  	_ =	shalt  }
0x70: {  	_ =	shalt  }
0x71: {  	_ =	shalt  }
0x72: {  	_ =	shalt  }
0x73: {  	_ =	shalt  }
0x74: {  	_ =	shalt  }
0x75: {  	_ =	shalt  }
0x76: {  	_ =	shalt  }
0x77: {  	_ =	shalt  }
0x78: {  	_ =	shalt  }
0x79: {  	_ =	shalt  }
0x7a: {  	_ =	shalt  }
0x7b: {  	_ =	shalt  }
0x7c: {  	_ =	shalt  }
0x7d: {  	_ =	shalt  }
0x7e: {  	_ =	shalt  }
0x7f: {  	_ =	shalt  }
0x80: {  	_ =	shalt  }
0x81: {  	_ =	shalt  }
0x82: {  	_ =	shalt  }
0x83: {  	_ =	shalt  }
0x84: {  	_ =	shalt  }
0x85: {  	_ =	shalt  }
0x86: {  	_ =	shalt  }
0x87: {  	_ =	shalt  }
.Lfunc_end0:
.L_simem_size_0:
called_computation.1_lowered:
.L_overlay_start_0:
0x88: {  	s2 =	sld [smem:$0x3FD9]  }
0x89: {  	s3 =	sld [smem:$0x3FFE];
	_ =	sdelay $0x1  }
0x8a: {  	s1 =	srdreg.scid  }
0x8b: {  	s0 =	sand.u32 $0x1, s1  }
0x8c: {  	s14 =	sshll.u32 s0, $0xA;
	s2 =	sadd.s32 s3, s2  }
0x8d: {  	s2 =	sadd.s32 s2, s14  }
0x8e: {  	[smem:$0x3FBD] =	sst s2  }
0x8f: {  	_ = 	snop  }
0x90: {  	s2 =	sld [smem:$0x3FD0];
	_ =	sdelay $0x2  }
0x91: {  	s4 =	simm.s32 $0xA;
	s5 =	simm.s32 $0x10;
	s15 =	sld [smem:$0x3FC8]  }
0x92: {  	[smem:s5], [sflag:s4] =	dma.local [hbm:s2], $0x1  }
0x93: {  	_ =	swait.eq [sflag:s4], $0x1  }
0x94: {  	[sflag:s4] =	ssyncset.done $0x0  }
0x95: {  	[sflag:s4] =	ssyncadd.s32 $0xFFFFFFFF  }
0x96: {  	s16 =	sld [smem:$0x10];
	(tm) =	ssettm $0x1  }
0x97: {  	s17 =	sld [smem:$0x3FFB];
	_ =	sdelay $0x3  }
0x98: {  	_ =	strace s17  }
0x99: {  	s4 =	sld [smem:$0x3FFC];
	_ =	sdelay $0x3  }
0x9a: {  	_ =	strace s4  }
0x9b: {  	s4 =	sld [smem:$0x3FFD];
	_ =	sdelay $0x3  }
0x9c: {  	_ =	strace s4  }
0x9d: {  	_ =	strace $0x8FFFFFFF  }
0x9e: {  	s18 =	sld [smem:$0x3FDB];
	_ =	sdelay $0x1  }
0x9f: {  	s19 =	simm.s32 $_scs_section_size  }
0xa0: {  	s6 =	simm.s32 $_size__tile_overlayer_lowered;
	s7 =	simm.s32 $_tile_overlayer_lowered  }
0xa1: {  	s22 =	simm.s32 $0x1BFF;
	s21 =	sshll.u32 s7, $0x1;
	s4 =	sadd.s32 s19, s18  }
0xa2: {  	s8 =	simm.s32 $0x0;
	s20 =	sshll.u32 s6, $0x1;
	s6 =	sadd.s32 s21, s4  }
0xa3: {  	[timem:s8], [sflag:s22] =	dma.local [hbm:s6], s20  }
0xa4: {  	_ =	swait.ge [sflag:s22], s20  }
0xa5: {  	s5 =	ssub.s32 $0x0, s20;
	[sflag:s22] =	ssyncset.done $0x0  }
0xa6: {  	[sflag:s22] =	ssyncadd.s32 s5;
	_ =	sdelay $0x1  }
0xa7: {  	s23 =	simm.s32 $0x1B8B  }
0xa8: {  	_ =	swait.ge [sflag:s23], $0x1  }
0xa9: {  	[sflag:s23] =	ssyncset.done $0x0  }
0xaa: {  	s25 =	simm.s32 $0x1B8E;
	s24 =	sld [smem:$0x3FFE];
	[sflag:s23] =	ssyncadd.s32 $0xFFFFFFFF  }
0xab: {  	s26 =	simm.s32 $execute0_lowered;
	[smem:$0x3FD2] =	sst s25  }
0xac: {  	s6 =	sshll.u32 s26, $0x1;
	_ =	strace $0x80000049;
	[dreg:$0x1] =	wrdreg $0xFFFFFFFF  }
0xad: {  	s28 =	simm.s32 $_size_execute0_lowered;
	s4 =	sadd.s32 s4, s6;
	[dreg:$0x0] =	wrdreg $0x0  }
0xae: {  	s6 =	sshll.u32 s28, $0x1;
	[dreg:$0x2] =	wrdreg s4  }
0xaf: {  	[dreg:$0x3] =	wrdreg s6  }
0xb0: {  	[dreg:$0x4] =	wrdreg $0xC0  }
0xb1: {  	_ =	task [dreg:s8], $0x5FFFF  }
0xb2: {  	[dreg:$0x1] =	wrdreg $0xFFFFFFFF  }
0xb3: {  	[dreg:$0x0] =	wrdreg $0x60  }
0xb4: {  	[dreg:$0x2] =	wrdreg s15  }
0xb5: {  	[dreg:$0x3] =	wrdreg s16  }
0xb6: {  	[dreg:$0x4] =	wrdreg s24  }
0xb7: {  	[dreg:$0x5] =	wrdreg $0x9  }
0xb8: {  	_ =	task.clear_ibuf [dreg:s8], $0x6FFFF;
	_ =	strace $0x90000049  }
0xb9: {  	s29 =	simm.s32 $0x9;
	_ =	strace $0x8000004B  }
0xba: {  	_ =	swait.ge [sflag:s29], $0x1  }
0xbb: {  	[sflag:s29] =	ssyncadd.s32 $0xFFFFFFFF  }
0xbc: {  	_ =	strace $0x9000004B  }
0xbd: {  	_ =	sfence  }
0xbe: {  	s30 =	sld [smem:$0x0];
	_ =	sdelay $0x2  }
0xbf: {  	s31 =	sshll.u32 s1, $0xD;
	s1 =	sshrl.u32 s1, $0x2  }
0xc0: {  	s3 =	sand.u32 $0x4000, s31;
	s1 =	sadd.s32 s1, s30  }
0xc1: {  	s0 =	sor.u32 s3, s0;
	s1 =	sshll.u32 s1, $0x11  }
0xc2: {  	s0 =	sor.u32 s1, s0  }
0xc3: {  	s0 =	sadd.s32 $0x8F2B, s0  }
0xc4: {  	[sflag:s0] =	ssyncadd.remote.s32 $0x1  }
0xc5: {  	_ =	sfence.sel $0xFFFF  }
0xc6: {  	[dreg:$0x0] =	wrdreg $0xFFFFFFFF;
	(pc) =	sbr.abs _section_cstart, $3  }
0xc7: {  	[dreg:$0x1] =	wrdreg $0xFFFFFFFF  }
0xc8: {  	_ =	task.clear_ibuf [dreg:s8], $0x2FFFF;
	_ =	strace $0x9FFFFFFF  }
0xc9: {  	(tm) =	ssettm $0x7FFFFFFF  }
tec
execute0_lowered:
.L_overlay_start_1:
0x0: {  	(tag) =	ssettag $0x1  }
0x1: {  	s1 =	rddreg [dreg:$0x0]  }
0x2: {  	s6 =	rddreg [dreg:$0x1]  }
0x3: {  	s4 =	rddreg [dreg:$0x2]  }
0x4: {  	s0 =	rddreg [dreg:$0x3];
	s3 =	simm.s32 $0x0;
	s5 =	srdreg.scid  }
0x5: {  	s2 =	stileid.u32;
	s12 =	simm.s32 $0x80;
	s13 =	simm.s32 $0x1  }
0x6: {  	s14 =	simm.s32 $0x0;
	[smem:$0x7FF] =	sst s3;
	s5 =	sand.u32 $0x1, s5  }
0x7: {  	s7 =	sshll.u32 s2, $0x9;
	s10 =	sshll.u32 s2, $0xC;
	_ =	strace $0x8000004A  }
0x8: {  	s8 =	ssub.s32 $0x2, s5;
	s9 =	sadd.s32 s7, s4;
	s10 =	sadd.s32 s10, s4  }
0x9: {  	s29 =	sshll.u32 s5, $0xB;
	s30 =	sshll.u32 s5, $0x8;
	s6 =	sadd.s32 s7, s6  }
0xa: {  	s11 =	sshrl.u32 s8, $0x1;
	s10 =	sadd.s32 s29, s10;
	s31 =	sadd.s32 s30, s9  }
0xb: {  	s6 =	sadd.s32 s30, s6;
	s28 =	ssub.s32 s8, s11;
	s7 =	sadd.s32 $0x1DC800, s10  }
0xc: {  	s5 =	sadd.s32 $0xDC800, s10;
	s8 =	sadd.s32 $0x2800, s31;
	s9 =	sadd.s32 $0x2DC800, s10  }
0xd: {  	s10 =	sadd.s32 $0x4800, s31;
	s11 =	simm.s32 $0x2;
	s4 =	smax.u32 s28, $0x1  }
.LBB2_1:
0xe: {  	s15 =	sadd.s32 $0x0, s6  }
0xf: {  	[tilespmem:s3], [sflag:$0x2] =	stream.linear.gather [hbm4b:s15+s3], $0x80, $0x38;
	[tilespmem:$0x4080] =	vst v63  }
0x10: {  	_ =	swait.ge [sflag:s11], $0x80  }
0x11: {  	[sflag:s11] =	ssyncset.done $0x0  }
0x12: {  	[sflag:s11] =	ssyncadd.s32 $0xFFFFFF80  }
0x13: {  	[tilespmem:s12], [sflag:$0x1] =	stream.indirect.gather [hbm4b:s1+s12], $0x80, s3, s12, $0xb8;
	[tilespmem:$0x4080] =	vst v63  }
0x14: {  	_ =	swait.ge [sflag:s13], $0x4000  }
0x15: {  	[sflag:s13] =	ssyncset.done $0x0  }
0x16: {  	[sflag:s13] =	ssyncadd.s32 $0xFFFFC000  }
0x17: {  	[hbm4b:s5+s3] =	stream.linear.scatter [tilespmem:s12], [sflag:$0x2], $0x4000, $0x38;
	[tilespmem:$0x4080] =	vst v63  }
0x18: {  	s18 =	sadd.s32 $0x10, s6;
	_ =	swait.ge [sflag:s11], $0x4000  }
0x19: {  	s17 =	simm.s32 $0x20;
	s15 =	sadd.s32 $0x10000, s5;
	[sflag:s11] =	ssyncset.done $0x0  }
.LBB2_2:
0x1a: {  	s19 =	sadd.s32 s17, s6;
	s16 =	simm.s32 $0x0;
	[sflag:s11] =	ssyncadd.s32 $0xFFFFC000  }
0x1b: {  	[tilespmem:s16], [sflag:$0x2] =	stream.linear.gather [hbm4b:s18+s16], $0x80, $0x38;
	[tilespmem:$0x4080] =	vst v63  }
0x1c: {  	p0 =	sne.s32 s17, $0xF0;
	s17 =	sadd.s32 $0x10, s17;
	_ =	swait.ge [sflag:s11], $0x80  }
0x1d: {  	s18 =	smov.u32 s19;
	[sflag:s11] =	ssyncset.done $0x0  }
0x1e: {  	[sflag:s11] =	ssyncadd.s32 $0xFFFFFF80  }
0x1f: {  	[tilespmem:s12], [sflag:$0x1] =	stream.indirect.gather [hbm4b:s1+s12], $0x80, s16, s12, $0xb8;
	[tilespmem:$0x4080] =	vst v63  }
0x20: {  	_ =	swait.ge [sflag:s13], $0x4000  }
.Ltmp0:
0x21: {  	[sflag:s13] =	ssyncset.done $0x0;
	(pc) =	sbr.rel @p0 .LBB2_2-.Ltmp0, $4  }
0x22: {  	[sflag:s13] =	ssyncadd.s32 $0xFFFFC000  }
0x23: {  	[hbm4b:s15+s16] =	stream.linear.scatter [tilespmem:s12], [sflag:$0x2], $0x4000, $0x38;
	[tilespmem:$0x4080] =	vst v63  }
0x24: {  	_ =	swait.ge [sflag:s11], $0x4000  }
0x25: {  	s15 =	sadd.s32 $0x10000, s15;
	[sflag:s11] =	ssyncset.done $0x0  }
0x26: {  	[sflag:s11] =	ssyncadd.s32 $0xFFFFC000  }
0x27: {  	[tilespmem:s16], [sflag:$0x2] =	stream.linear.gather [hbm4b:s18+s16], $0x80, $0x38;
	[tilespmem:$0x4080] =	vst v63  }
0x28: {  	_ =	swait.ge [sflag:s11], $0x80  }
0x29: {  	[sflag:s11] =	ssyncset.done $0x0  }
0x2a: {  	[sflag:s11] =	ssyncadd.s32 $0xFFFFFF80  }
0x2b: {  	[tilespmem:s12], [sflag:$0x1] =	stream.indirect.gather [hbm4b:s1+s12], $0x80, s16, s12, $0xb8;
	[tilespmem:$0x4080] =	vst v63  }
0x2c: {  	_ =	swait.ge [sflag:s13], $0x4000  }
0x2d: {  	p1 =	por $0x1, $0x1;
	[sflag:s13] =	ssyncset.done $0x0  }
.Ltmp1:
0x2e: {  	[sflag:s13] =	ssyncadd.s32 $0xFFFFC000;
	(pc) =	sbr.rel @!p1 .LBB2_7-.Ltmp1, $4  }
0x2f: {  	[hbm4b:s15+s16] =	stream.linear.scatter [tilespmem:s12], [sflag:$0x2], $0x4000, $0x38;
	[tilespmem:$0x4080] =	vst v63  }
0x30: {  	p0 =	por $0x0, $0x0;
	_ =	swait.ge [sflag:s11], $0x4000  }
0x31: {  	s17 =	smov.u32 s7;
	p2 =	por $0x0, $0x0;
	[sflag:s11] =	ssyncset.done $0x0  }
0x32: {  	s18 =	simm.s32 $0x0;
	s15 =	simm.s32 $0x10;
	[sflag:s11] =	ssyncadd.s32 $0xFFFFC000  }
0x33: {  	s17 =	sadd.s32 $0x0, s8  }
0x34: {  	[tilespmem:s16], [sflag:$0x2] =	stream.linear.gather [hbm4b:s17+s16], $0x80, $0x38;
	[tilespmem:$0x4080] =	vst v63  }
0x35: {  	_ =	swait.ge [sflag:s11], $0x80  }
0x36: {  	[sflag:s11] =	ssyncset.done $0x0  }
0x37: {  	[sflag:s11] =	ssyncadd.s32 $0xFFFFFF80  }
0x38: {  	[tilespmem:s12], [sflag:$0x1] =	stream.indirect.gather [hbm4b:s1+s12], $0x80, s16, s12, $0xb8;
	[tilespmem:$0x4080] =	vst v63  }
0x39: {  	p3 =	por $0x1, $0x1;
	_ =	swait.ge [sflag:s13], $0x4000  }
.Ltmp2:
0x3a: {  	[sflag:s13] =	ssyncset.done $0x0;
	(pc) =	sbr.rel @!p3 .LBB2_5-.Ltmp2, $4  }
0x3b: {  	[sflag:s13] =	ssyncadd.s32 $0xFFFFC000  }
0x3c: {  	[hbm4b:s7+s16] =	stream.linear.scatter [tilespmem:s12], [sflag:$0x2], $0x4000, $0x38;
	[tilespmem:$0x4080] =	vst v63  }
0x3d: {  	s19 =	simm.s32 $0x20;
	p2 =	por $0x1, $0x1;
	_ =	swait.ge [sflag:s11], $0x4000  }
0x3e: {  	s18 =	simm.s32 $0x10;
	s17 =	sadd.s32 $0x10000, s7;
	[sflag:s11] =	ssyncset.done $0x0  }
.LBB2_6:
0x3f: {  	s20 =	sadd.s32 s18, s8  }
0x40: {  	[sflag:s11] =	ssyncadd.s32 $0xFFFFC000;
	s18 =	smov.u32 s19;
	s21 =	sadd.s32 $0x10, s19  }
0x41: {  	[tilespmem:s16], [sflag:$0x2] =	stream.linear.gather [hbm4b:s20+s16], $0x80, $0x38;
	[tilespmem:$0x4080] =	vst v63  }
0x42: {  	p3 =	sne.s32 s19, $0xF0;
	_ =	swait.ge [sflag:s11], $0x80  }
0x43: {  	[sflag:s11] =	ssyncset.done $0x0  }
0x44: {  	[sflag:s11] =	ssyncadd.s32 $0xFFFFFF80  }
0x45: {  	[tilespmem:s12], [sflag:$0x1] =	stream.indirect.gather [hbm4b:s1+s12], $0x80, s16, s12, $0xb8;
	[tilespmem:$0x4080] =	vst v63  }
0x46: {  	_ =	swait.ge [sflag:s13], $0x4000  }
.Ltmp3:
0x47: {  	[sflag:s13] =	ssyncset.done $0x0;
	(pc) =	sbr.rel @p3 .LBB2_6-.Ltmp3, $4  }
0x48: {  	[sflag:s13] =	ssyncadd.s32 $0xFFFFC000  }
0x49: {  	[hbm4b:s17+s16] =	stream.linear.scatter [tilespmem:s12], [sflag:$0x2], $0x4000, $0x38;
	[tilespmem:$0x4080] =	vst v63  }
0x4a: {  	_ =	swait.ge [sflag:s11], $0x4000  }
0x4b: {  	s19 =	smov.u32 s21;
	s17 =	sadd.s32 $0x10000, s17;
	[sflag:s11] =	ssyncset.done $0x0  }
.LBB2_7:
0x4c: {  	s18 =	sadd.s32 s18, s8;
	[sflag:s11] =	ssyncadd.s32 @p2 $0xFFFFC000  }
0x4d: {  	[tilespmem:s16], [sflag:$0x2] =	stream.linear.gather [hbm4b:s18+s16], $0x80, $0x38;
	[tilespmem:$0x4080] =	vst v63  }
0x4e: {  	_ =	swait.ge [sflag:s11], $0x80  }
0x4f: {  	[sflag:s11] =	ssyncset.done $0x0  }
0x50: {  	[sflag:s11] =	ssyncadd.s32 $0xFFFFFF80  }
0x51: {  	[tilespmem:s12], [sflag:$0x1] =	stream.indirect.gather [hbm4b:s1+s12], $0x80, s16, s12, $0xb8;
	[tilespmem:$0x4080] =	vst v63  }
0x52: {  	_ =	swait.ge [sflag:s13], $0x4000  }
0x53: {  	[sflag:s13] =	ssyncset.done $0x0  }
.Ltmp4:
0x54: {  	[sflag:s13] =	ssyncadd.s32 $0xFFFFC000;
	(pc) =	sbr.rel @!p1 .LBB2_12-.Ltmp4, $4  }
0x55: {  	[hbm4b:s17+s16] =	stream.linear.scatter [tilespmem:s12], [sflag:$0x2], $0x4000, $0x38;
	[tilespmem:$0x4080] =	vst v63  }
0x56: {  	_ =	swait.ge [sflag:s11], $0x4000  }
0x57: {  	[sflag:s11] =	ssyncset.done $0x0  }
0x58: {  	s17 =	smov.u32 s9;
	[sflag:s11] =	ssyncadd.s32 $0xFFFFC000  }
0x59: {  	s16 =	sadd.s32 $0x0, s10  }
0x5a: {  	[tilespmem:s3], [sflag:$0x2] =	stream.linear.gather [hbm4b:s16+s3], $0x80, $0x38;
	[tilespmem:$0x4080] =	vst v63  }
0x5b: {  	_ =	swait.ge [sflag:s11], $0x80  }
0x5c: {  	[sflag:s11] =	ssyncset.done $0x0  }
0x5d: {  	[sflag:s11] =	ssyncadd.s32 $0xFFFFFF80  }
0x5e: {  	[tilespmem:s12], [sflag:$0x1] =	stream.indirect.gather [hbm4b:s1+s12], $0x80, s3, s12, $0xb8;
	[tilespmem:$0x4080] =	vst v63  }
0x5f: {  	p1 =	por $0x1, $0x1;
	_ =	swait.ge [sflag:s13], $0x4000  }
.Ltmp5:
0x60: {  	[sflag:s13] =	ssyncset.done $0x0;
	(pc) =	sbr.rel @!p1 .LBB2_9-.Ltmp5, $4  }
0x61: {  	[sflag:s13] =	ssyncadd.s32 $0xFFFFC000  }
0x62: {  	[hbm4b:s9+s3] =	stream.linear.scatter [tilespmem:s12], [sflag:$0x2], $0x4000, $0x38;
	[tilespmem:$0x4080] =	vst v63  }
0x63: {  	s17 =	sadd.s32 $0x10000, s9;
	_ =	swait.ge [sflag:s11], $0x4000  }
0x64: {  	p0 =	por $0x1, $0x1;
	s16 =	simm.s32 $0x20;
	[sflag:s11] =	ssyncset.done $0x0  }
.LBB2_10:
0x65: {  	s18 =	sadd.s32 s15, s10  }
0x66: {  	[sflag:s11] =	ssyncadd.s32 $0xFFFFC000;
	s15 =	smov.u32 s16;
	s19 =	sadd.s32 $0x10, s16  }
0x67: {  	[tilespmem:s3], [sflag:$0x2] =	stream.linear.gather [hbm4b:s18+s3], $0x80, $0x38;
	[tilespmem:$0x4080] =	vst v63  }
0x68: {  	p1 =	sne.s32 s16, $0xF0;
	_ =	swait.ge [sflag:s11], $0x80  }
0x69: {  	[sflag:s11] =	ssyncset.done $0x0  }
0x6a: {  	[sflag:s11] =	ssyncadd.s32 $0xFFFFFF80  }
0x6b: {  	[tilespmem:s12], [sflag:$0x1] =	stream.indirect.gather [hbm4b:s1+s12], $0x80, s3, s12, $0xb8;
	[tilespmem:$0x4080] =	vst v63  }
0x6c: {  	_ =	swait.ge [sflag:s13], $0x4000  }
.Ltmp6:
0x6d: {  	[sflag:s13] =	ssyncset.done $0x0;
	(pc) =	sbr.rel @p1 .LBB2_10-.Ltmp6, $4  }
0x6e: {  	[sflag:s13] =	ssyncadd.s32 $0xFFFFC000  }
0x6f: {  	[hbm4b:s17+s3] =	stream.linear.scatter [tilespmem:s12], [sflag:$0x2], $0x4000, $0x38;
	[tilespmem:$0x4080] =	vst v63  }
0x70: {  	_ =	swait.ge [sflag:s11], $0x4000  }
0x71: {  	s16 =	smov.u32 s19;
	s17 =	sadd.s32 $0x10000, s17;
	[sflag:s11] =	ssyncset.done $0x0  }
0x72: {  	s16 =	smov.u32 s15  }
.LBB2_12:
0x73: {  	s15 =	sadd.s32 s16, s10;
	[sflag:s11] =	ssyncadd.s32 @p0 $0xFFFFC000  }
0x74: {  	[tilespmem:s3], [sflag:$0x2] =	stream.linear.gather [hbm4b:s15+s3], $0x80, $0x38;
	[tilespmem:$0x4080] =	vst v63  }
0x75: {  	_ =	swait.ge [sflag:s11], $0x80  }
0x76: {  	[sflag:s11] =	ssyncset.done $0x0  }
0x77: {  	[sflag:s11] =	ssyncadd.s32 $0xFFFFFF80  }
0x78: {  	[tilespmem:s12], [sflag:$0x1] =	stream.indirect.gather [hbm4b:s1+s12], $0x80, s3, s12, $0xb8;
	[tilespmem:$0x4080] =	vst v63  }
0x79: {  	_ =	swait.ge [sflag:s13], $0x4000  }
0x7a: {  	s14 =	sadd.s32 $0x1, s14;
	[sflag:s13] =	ssyncset.done $0x0  }
0x7b: {  	p0 =	sne.s32 s14, s4;
	[sflag:s13] =	ssyncadd.s32 $0xFFFFC000  }
0x7c: {  	[hbm4b:s17+s3] =	stream.linear.scatter [tilespmem:s12], [sflag:$0x2], $0x4000, $0x38;
	[tilespmem:$0x4080] =	vst v63  }
.Ltmp7:
0x7d: {  	_ = 	snop;
	(pc) =	sbr.rel @p0 .LBB2_1-.Ltmp7, $4  }
.Ltmp8:
0x7e: {  	_ = 	snop;
	(pc) =	sbr.rel @!p0 .LBB2_13-.Ltmp8, $4  }
0x7f: {  	_ =	swait.ge [sflag:s11], $0x4000  }
0x80: {  	[sflag:s11] =	ssyncset.done $0x0  }
0x81: {  	[sflag:s11] =	ssyncadd.s32 $0xFFFFC000  }
0x82: {  	_ = 	snop  }
.LBB2_5:
.Ltmp9:
0x83: {  	(pc) =	sbr.rel .LBB2_7-.Ltmp9, $2  }
0x84: {  	_ =	sdelay $0x2  }
0x85: {  	s18 =	simm.s32 $0x10  }
.LBB2_9:
.Ltmp10:
0x86: {  	(pc) =	sbr.rel .LBB2_12-.Ltmp10, $2  }
0x87: {  	_ =	sdelay $0x2  }
0x88: {  	s16 =	simm.s32 $0x10  }
.LBB2_13:
0x89: {  	_ =	sfence.sel $0x180000  }
0x8a: {  	[bflag:$0x0] =	sbarrier.arrive $0xFFFF  }
0x8b: {  	p0 =	sne.s32 s2, $0x0;
	_ =	strace $0x9000004A  }
0x8c: {  	s0 =	sadd.s32 @!p0 $0x100000, s0;
	[bflag:$0x2] =	sbarrier.arrive $0xFFFF  }
0x8d: {  	[sflag:s0] =	ssyncadd.tile.s32 @!p0 $0x1;
	_ =	shalt  }
.Lfunc_end2:
_tile_overlayer_lowered:
.L_overlay_start_2:
0x8e: {  	(tag) =	ssettag $0x2  }
0x8f: {  	s0 =	rddreg [dreg:$0x0];
	s2 =	stileid.u32  }
0x90: {  	s1 =	rddreg [dreg:$0x1];
	p0 =	sne.s32 s2, $0x0  }
0x91: {  	s3 =	rddreg [dreg:$0x2];
	[bflag:$0x3] =	sbarrier.arrive $0xFFFF;
	s2 =	simm.s32 @!p0 $0x1C02  }
0x92: {  	[timem:s3], [sflag:s2] =	dma.local @!p0 [hbm:s0], s1  }
0x93: {  	s0 =	simm.s32 @!p0 $0x2  }
0x94: {  	_ =	swait.ge @!p0 [sflag:s0], s1  }
0x95: {  	s1 =	ssub.s32 @!p0 $0x0, s1;
	[sflag:s0] =	ssyncset.done @!p0 $0x0  }
0x96: {  	[sflag:s0] =	ssyncadd.s32 @!p0 s1  }
0x97: {  	[bflag:$0x3] =	sbarrier.arrive $0xFFFF  }
0x98: {  	_ =	shalt  }

// kernel: kernel.7.cloned.1.call-start
scs
__scs_entry_jumppad:
0x0: {  	(pc) =	sbr.rel $0x88, $3  }
0x1: {  	(tag) =	ssettag $0x0;
	lr =	simm.s32 $0x1  }
0x2: {  	[smem:$0x3F96] =	sst lr;
	_ =	strace $0xD0000000  }
0x3: {  	_ = 	snop  }
0x4: {  	_ = 	snop  }
0x5: {  	_ = 	snop  }
0x6: {  	_ = 	snop  }
0x7: {  	_ = 	snop  }
__scs_overlays_trampoline_lowered:
0x8: {  	[smem:$0x3FA5] =	sst s0  }
0x9: {  	[smem:$0x3FA6] =	sst s1  }
0xa: {  	[smem:$0x3FA7] =	sst s2  }
0xb: {  	[smem:$0x3FA8] =	sst s3  }
0xc: {  	[smem:$0x3FA9] =	sst s4  }
0xd: {  	[smem:$0x3FAA] =	sst s5  }
0xe: {  	[smem:$0x3FAB] =	sst s6  }
0xf: {  	[smem:$0x3FAC] =	sst s7  }
0x10: {  	[smem:$0x3FAD] =	sst s8  }
0x11: {  	[smem:$0x3FAE] =	sst s9;
	s0 =	simm.s32 @!p0 $0x0  }
0x12: {  	s1 =	sld [smem:$0x3F94];
	s0 =	simm.s32 @p0 $0x1  }
0x13: {  	[smem:$0x3FAF] =	sst s0;
	s0 =	simm.s32 @!p1 $0x0  }
0x14: {  	s2 =	sld [smem:$0x3F93];
	s0 =	simm.s32 @p1 $0x1  }
0x15: {  	[smem:$0x3FB0] =	sst s0;
	s0 =	simm.s32 @!p2 $0x0  }
0x16: {  	s3 =	sld [smem:$0x3FDB];
	s0 =	simm.s32 @p2 $0x1  }
0x17: {  	s4 =	simm.s32 $0x1BF5;
	[smem:$0x3FB2] =	sst s0  }
0x18: {  	s0 =	sld [smem:$0x3F95];
	_ =	swait.ge [sflag:s4], $0x0  }
0x19: {  	s7 =	sld [smem:$0x3F96]  }
0x1a: {  	s8 =	sadd.s32 $0xFFFFE003, lr  }
0x1b: {  	s9 =	sadd.s32 $0xFFFFFEF7, lr;
	s5 =	simm.s32 $0xFFFFFFFF;
	p2 =	slt.u32 s8, $0xFFFFF086  }
0x1c: {  	p1 =	slt.u32 s9, $0xF7A;
	s5 =	simm.s32 @!p2 $0x0  }
0x1d: {  	s5 =	simm.s32 @p1 $0x1;
	p0 =	seq.s32 s7, s2  }
0x1e: {  	s7 =	smul.u32 @!p0 $0xF7A, s2;
	p2 =	seq.s32 @!p0 s5, $0x0  }
0x1f: {  	s9 =	smul.u32 $0xF7A, s1;
	s8 =	simm.s32 @!p0 $0x1BF5;
	p2 =	por !p2, p0  }
0x20: {  	[sflag:s8] =	ssyncset.s32 @!p0 $0xFFFFF086;
	s6 =	sadd.s32 @!p0 s3, s7;
	s7 =	simm.s32 @!p0 $0x108  }
0x21: {  	s3 =	sadd.s32 s3, s9;
	s6 =	sadd.s32 @!p0 $0x88, s6;
	s7 =	simm.s32 @p2 $0x1082  }
0x22: {  	[simem:s7], [sflag:s8] =	dma.local @!p0 [hbm:s6], $0xF7A  }
0x23: {  	s9 =	sor.u32 $0xD0000000, s2;
	s6 =	simm.s32 $0x108;
	_ =	swait.ge @!p0 [sflag:s8], $0x0  }
0x24: {  	s3 =	sadd.s32 $0x88, s3;
	s6 =	simm.s32 @!p1 $0x1082;
	[sflag:s4] =	ssyncset.s32 $0xFFFFF086  }
0x25: {  	[simem:s6], [sflag:s4] =	dma.local [hbm:s3], $0xF7A  }
0x26: {  	[smem:$0x3F96] =	sst s1;
	(tag) =	ssettag s2;
	_ =	strace s9  }
0x27: {  	s1 =	sld [smem:$0x3FA6]  }
0x28: {  	s2 =	sld [smem:$0x3FA7]  }
0x29: {  	s4 =	sld [smem:$0x3FA9]  }
0x2a: {  	p0 =	seq.s32 s5, $0x0;
	s5 =	sld [smem:$0x3FAA]  }
0x2b: {  	s6 =	sld [smem:$0x3FAB]  }
0x2c: {  	s7 =	sld [smem:$0x3FAC]  }
0x2d: {  	s3 =	simm.s32 $0x108;
	s8 =	sld [smem:$0x3FAD]  }
0x2e: {  	s3 =	simm.s32 @!p0 $0x1082;
	s9 =	sld [smem:$0x3FAE]  }
0x2f: {  	lr =	sadd.s32 s0, s3;
	s0 =	sld [smem:$0x3FA5]  }
0x30: {  	s3 =	sld [smem:$0x3FA8]  }
0x31: {  	[smem:$0x3FB1] =	sst s10  }
0x32: {  	s10 =	sld [smem:$0x3FAF];
	_ =	sdelay $0x3  }
0x33: {  	p0 =	seq.s32 s10, $0x1;
	s10 =	sld [smem:$0x3FB1];
	_ =	sdelay $0x3  }
0x34: {  	[smem:$0x3FB1] =	sst s10  }
0x35: {  	s10 =	sld [smem:$0x3FB0];
	_ =	sdelay $0x3  }
0x36: {  	p1 =	seq.s32 s10, $0x1;
	s10 =	sld [smem:$0x3FB1];
	_ =	sdelay $0x3  }
0x37: {  	[smem:$0x3FB1] =	sst s10  }
0x38: {  	s10 =	sld [smem:$0x3FB2]  }
0x39: {  	_ = 	snop;
	(pc) =	sbr.ind lr, $3  }
0x3a: {  	_ = 	snop  }
0x3b: {  	_ = 	snop  }
0x3c: {  	p2 =	seq.s32 s10, $0x1;
	s10 =	sld [smem:$0x3FB1]  }
0x3d: {  	_ =	shalt  }
0x3e: {  	_ =	shalt  }
0x3f: {  	_ =	shalt  }
0x40: {  	_ =	shalt  }
0x41: {  	_ =	shalt  }
0x42: {  	_ =	shalt  }
0x43: {  	_ =	shalt  }
0x44: {  	_ =	shalt  }
0x45: {  	_ =	shalt  }
0x46: {  	_ =	shalt  }
0x47: {  	_ =	shalt  }
0x48: {  	_ =	shalt  }
0x49: {  	_ =	shalt  }
0x4a: {  	_ =	shalt  }
0x4b: {  	_ =	shalt  }
0x4c: {  	_ =	shalt  }
0x4d: {  	_ =	shalt  }
0x4e: {  	_ =	shalt  }
0x4f: {  	_ =	shalt  }
0x50: {  	_ =	shalt  }
0x51: {  	_ =	shalt  }
0x52: {  	_ =	shalt  }
0x53: {  	_ =	shalt  }
0x54: {  	_ =	shalt  }
0x55: {  	_ =	shalt  }
0x56: {  	_ =	shalt  }
0x57: {  	_ =	shalt  }
0x58: {  	_ =	shalt  }
0x59: {  	_ =	shalt  }
0x5a: {  	_ =	shalt  }
0x5b: {  	_ =	shalt  }
0x5c: {  	_ =	shalt  }
0x5d: {  	_ =	shalt  }
0x5e: {  	_ =	shalt  }
0x5f: {  	_ =	shalt  }
0x60: {  	_ =	shalt  }
0x61: {  	_ =	shalt  }
0x62: {  	_ =	shalt  }
0x63: {  	_ =	shalt  }
0x64: {  	_ =	shalt  }
0x65: {  	_ =	shalt  }
0x66: {  	_ =	shalt  }
0x67: {  	_ =	shalt  }
0x68: {  	_ =	shalt  }
0x69: {  	_ =	shalt  }
0x6a: {  	_ =	shalt  }
0x6b: {  	_ =	shalt  }
0x6c: {  	_ =	shalt  }
0x6d: {  	_ =	shalt  }
0x6e: {  	_ =	shalt  }
0x6f: {  	_ =	shalt  }
0x70: {  	_ =	shalt  }
0x71: {  	_ =	shalt  }
0x72: {  	_ =	shalt  }
0x73: {  	_ =	shalt  }
0x74: {  	_ =	shalt  }
0x75: {  	_ =	shalt  }
0x76: {  	_ =	shalt  }
0x77: {  	_ =	shalt  }
0x78: {  	_ =	shalt  }
0x79: {  	_ =	shalt  }
0x7a: {  	_ =	shalt  }
0x7b: {  	_ =	shalt  }
0x7c: {  	_ =	shalt  }
0x7d: {  	_ =	shalt  }
0x7e: {  	_ =	shalt  }
0x7f: {  	_ =	shalt  }
0x80: {  	_ =	shalt  }
0x81: {  	_ =	shalt  }
0x82: {  	_ =	shalt  }
0x83: {  	_ =	shalt  }
0x84: {  	_ =	shalt  }
0x85: {  	_ =	shalt  }
0x86: {  	_ =	shalt  }
0x87: {  	_ =	shalt  }
.Lfunc_end0:
.L_simem_size_0:
called_computation_lowered:
.L_overlay_start_0:
0x88: {  	s2 =	sld [smem:$0x3FD9]  }
0x89: {  	s3 =	sld [smem:$0x3FFE];
	_ =	sdelay $0x1  }
0x8a: {  	s1 =	srdreg.scid  }
0x8b: {  	s0 =	sand.u32 $0x1, s1  }
0x8c: {  	s14 =	sshll.u32 s0, $0xA;
	s2 =	sadd.s32 s3, s2  }
0x8d: {  	s2 =	sadd.s32 s2, s14  }
0x8e: {  	[smem:$0x3FBD] =	sst s2  }
0x8f: {  	_ = 	snop  }
0x90: {  	s2 =	sld [smem:$0x3FD0];
	_ =	sdelay $0x1  }
0x91: {  	s15 =	sld [smem:$0x3FC9]  }
0x92: {  	s5 =	simm.s32 $0xA;
	s6 =	simm.s32 $0x10;
	s4 =	sld [smem:$0x3FC8]  }
0x93: {  	[smem:s6], [sflag:s5] =	dma.local [hbm:s2], $0x1  }
0x94: {  	_ =	swait.eq [sflag:s5], $0x1  }
0x95: {  	[sflag:s5] =	ssyncset.done $0x0  }
0x96: {  	[sflag:s5] =	ssyncadd.s32 $0xFFFFFFFF  }
0x97: {  	s16 =	sld [smem:$0x10];
	(tm) =	ssettm $0x1  }
0x98: {  	s17 =	sld [smem:$0x3FFB];
	_ =	sdelay $0x3  }
0x99: {  	_ =	strace s17  }
0x9a: {  	s5 =	sld [smem:$0x3FFC];
	_ =	sdelay $0x3  }
0x9b: {  	_ =	strace s5  }
0x9c: {  	s5 =	sld [smem:$0x3FFD];
	_ =	sdelay $0x3  }
0x9d: {  	_ =	strace s5  }
0x9e: {  	_ =	strace $0x8FFFFFFF  }
0x9f: {  	s18 =	sld [smem:$0x3FDB];
	_ =	sdelay $0x1  }
0xa0: {  	s19 =	simm.s32 $_scs_section_size  }
0xa1: {  	s7 =	simm.s32 $_size__tile_overlayer_lowered;
	s8 =	simm.s32 $_tile_overlayer_lowered  }
0xa2: {  	s22 =	simm.s32 $0x1BFF;
	s21 =	sshll.u32 s8, $0x1;
	s5 =	sadd.s32 s19, s18  }
0xa3: {  	s9 =	simm.s32 $0x0;
	s20 =	sshll.u32 s7, $0x1;
	s7 =	sadd.s32 s21, s5  }
0xa4: {  	[timem:s9], [sflag:s22] =	dma.local [hbm:s7], s20  }
0xa5: {  	_ =	swait.ge [sflag:s22], s20  }
0xa6: {  	s6 =	ssub.s32 $0x0, s20;
	[sflag:s22] =	ssyncset.done $0x0  }
0xa7: {  	[sflag:s22] =	ssyncadd.s32 s6;
	_ =	sdelay $0x1  }
0xa8: {  	s23 =	simm.s32 $0x1B8B  }
0xa9: {  	_ =	swait.ge [sflag:s23], $0x1  }
0xaa: {  	[sflag:s23] =	ssyncset.done $0x0  }
0xab: {  	s25 =	simm.s32 $0x1B8E;
	s24 =	sld [smem:$0x3FFE];
	[sflag:s23] =	ssyncadd.s32 $0xFFFFFFFF  }
0xac: {  	s26 =	simm.s32 $execute0_lowered;
	[smem:$0x3FD2] =	sst s25  }
0xad: {  	s7 =	sshll.u32 s26, $0x1;
	_ =	strace $0x80000046;
	[dreg:$0x1] =	wrdreg $0xFFFFFFFF  }
0xae: {  	s28 =	simm.s32 $_size_execute0_lowered;
	s5 =	sadd.s32 s5, s7;
	[dreg:$0x0] =	wrdreg $0x0  }
0xaf: {  	s7 =	sshll.u32 s28, $0x1;
	[dreg:$0x2] =	wrdreg s5  }
0xb0: {  	[dreg:$0x3] =	wrdreg s7  }
0xb1: {  	[dreg:$0x4] =	wrdreg $0xC0  }
0xb2: {  	_ =	task [dreg:s9], $0x5FFFF  }
0xb3: {  	[dreg:$0x1] =	wrdreg $0xFFFFFFFF  }
0xb4: {  	[dreg:$0x0] =	wrdreg $0x60  }
0xb5: {  	[dreg:$0x2] =	wrdreg s24  }
0xb6: {  	[dreg:$0x3] =	wrdreg s4  }
0xb7: {  	[dreg:$0x4] =	wrdreg s15  }
0xb8: {  	[dreg:$0x5] =	wrdreg s16  }
0xb9: {  	[dreg:$0x6] =	wrdreg $0x9  }
0xba: {  	_ =	task.clear_ibuf [dreg:s9], $0x7FFFF;
	_ =	strace $0x90000046  }
0xbb: {  	s29 =	simm.s32 $0x9;
	_ =	strace $0x80000048  }
0xbc: {  	_ =	swait.ge [sflag:s29], $0x1  }
0xbd: {  	[sflag:s29] =	ssyncadd.s32 $0xFFFFFFFF  }
0xbe: {  	_ =	strace $0x90000048  }
0xbf: {  	_ =	sfence  }
0xc0: {  	s30 =	sld [smem:$0x0];
	_ =	sdelay $0x2  }
0xc1: {  	s31 =	sshll.u32 s1, $0xD;
	s1 =	sshrl.u32 s1, $0x2  }
0xc2: {  	s3 =	sand.u32 $0x4000, s31;
	s1 =	sadd.s32 s1, s30  }
0xc3: {  	s0 =	sor.u32 s3, s0;
	s1 =	sshll.u32 s1, $0x11  }
0xc4: {  	s0 =	sor.u32 s1, s0  }
0xc5: {  	s0 =	sadd.s32 $0x8F2B, s0  }
0xc6: {  	[sflag:s0] =	ssyncadd.remote.s32 $0x1  }
0xc7: {  	_ =	sfence.sel $0xFFFF  }
0xc8: {  	[dreg:$0x0] =	wrdreg $0xFFFFFFFF;
	(pc) =	sbr.abs _section_cstart, $3  }
0xc9: {  	[dreg:$0x1] =	wrdreg $0xFFFFFFFF  }
0xca: {  	_ =	task.clear_ibuf [dreg:s9], $0x2FFFF;
	_ =	strace $0x9FFFFFFF  }
0xcb: {  	(tm) =	ssettm $0x7FFFFFFF  }
tec
execute0_lowered:
.L_overlay_start_1:
0x0: {  	(tag) =	ssettag $0x1  }
0x1: {  	s5 =	rddreg [dreg:$0x0]  }
0x2: {  	s1 =	rddreg [dreg:$0x1]  }
0x3: {  	s6 =	rddreg [dreg:$0x2]  }
0x4: {  	s10 =	rddreg [dreg:$0x3];
	s4 =	srdreg.scid  }
0x5: {  	s3 =	simm.s32 $0x0;
	s2 =	stileid.u32;
	s16 =	simm.s32 $0x80  }
0x6: {  	s17 =	simm.s32 $0x1;
	s18 =	simm.s32 $0x4080;
	s19 =	simm.s32 $0x4880  }
0x7: {  	s20 =	simm.s32 $0x4900;
	s21 =	simm.s32 $0x2;
	s22 =	simm.s32 $0x3  }
0x8: {  	s23 =	simm.s32 $0x4;
	s24 =	simm.s32 $0x0;
	s7 =	sand.u32 $0x1, s4  }
0x9: {  	[smem:$0x7FF] =	sst s3;
	s8 =	sshll.u32 s2, $0xD;
	s4 =	sadd.s32 $0x191200, s5  }
0xa: {  	s26 =	sshll.u32 s2, $0xE;
	s28 =	sshll.u32 s2, $0x1;
	s9 =	sshll.u32 s7, $0xC  }
0xb: {  	_ =	strace $0x80000047;
	s15 =	ssub.s32 $0x2, s7;
	s8 =	sor.u32 s9, s8  }
0xc: {  	s9 =	sor.u32 s7, s28;
	s29 =	sshrl.u32 s15, $0x1;
	s7 =	sshll.u32 s7, $0xD  }
0xd: {  	s11 =	sshrl.u32 s8, $0x3;
	s8 =	sadd.s32 s26, s5;
	s12 =	sshll.u32 s9, $0x8  }
0xe: {  	s13 =	sshll.u32 s9, $0xB;
	s15 =	ssub.s32 s15, s29;
	s30 =	sshll.u32 s9, $0x4  }
0xf: {  	s14 =	sadd.s32 s11, s5;
	s12 =	sadd.s32 s12, s5;
	s13 =	sadd.s32 s13, s5  }
0x10: {  	s5 =	sadd.s32 s6, s30;
	s31 =	sadd.s32 s7, s8;
	s8 =	smax.u32 s15, $0x1  }
0x11: {  	s10 =	sadd.s32 s11, s10;
	s15 =	simm.s32 $0x5;
	s6 =	sadd.s32 $0xCC800, s13  }
0x12: {  	s7 =	sadd.s32 $0xA800, s12;
	s9 =	sadd.s32 $0xC800, s31;
	s11 =	sadd.s32 $0x4C800, s31  }
0x13: {  	s12 =	sadd.s32 $0x2800, s14;
	s13 =	sadd.s32 $0x8C800, s31;
	s14 =	sadd.s32 $0x6800, s14  }
.LBB2_1:
0x14: {  	[tilespmem:s3], [sflag:$0x5] =	stream.linear.gather [hbm4b:s5+s3], $0x80, $0x38;
	[tilespmem:$0x5100] =	vst v63  }
0x15: {  	_ =	swait.ge [sflag:s15], $0x80  }
0x16: {  	[sflag:s15] =	ssyncset.done $0x0  }
0x17: {  	[sflag:s15] =	ssyncadd.s32 $0xFFFFFF80  }
0x18: {  	[tilespmem:s16], [sflag:$0x1] =	stream.indirect.gather [hbm4b:s1+s16], $0x80, s3, s16, $0xb8;
	[tilespmem:$0x5100] =	vst v63  }
0x19: {  	_ =	swait.ge [sflag:s17], $0x4000  }
0x1a: {  	[sflag:s17] =	ssyncset.done $0x0  }
0x1b: {  	[sflag:s17] =	ssyncadd.s32 $0xFFFFC000  }
0x1c: {  	[tilespmem:s18], [sflag:$0x1] =	stream.indirect.gather [hbm4b:s4+s16], $0x10, s3, s16, $0xb8;
	[tilespmem:$0x5100] =	vst v63  }
0x1d: {  	_ =	swait.ge [sflag:s17], $0x800  }
0x1e: {  	[sflag:s17] =	ssyncset.done $0x0  }
0x1f: {  	[sflag:s17] =	ssyncadd.s32 $0xFFFFF800  }
0x20: {  	[hbm4b:s6+s3] =	stream.linear.scatter [tilespmem:s16], [sflag:$0x5], $0x4000, $0x38;
	[tilespmem:$0x5100] =	vst v63  }
0x21: {  	_ =	swait.ge [sflag:s15], $0x4000  }
0x22: {  	[sflag:s15] =	ssyncset.done $0x0  }
0x23: {  	[sflag:s15] =	ssyncadd.s32 $0xFFFFC000  }
0x24: {  	[hbm4b:s7+s3] =	stream.linear.scatter [tilespmem:s18], [sflag:$0x5], $0x800, $0x38;
	[tilespmem:$0x5100] =	vst v63  }
0x25: {  	_ =	swait.ge [sflag:s15], $0x800  }
0x26: {  	[sflag:s15] =	ssyncset.done $0x0  }
0x27: {  	s25 =	sadd.s32 $0x0, s10;
	[sflag:s15] =	ssyncadd.s32 $0xFFFFF800  }
0x28: {  	[tilespmem:s19], [sflag:$0x5] =	stream.linear.gather [hbm4b:s25+s3], $0x80, $0x38;
	[tilespmem:$0x5100] =	vst v63  }
0x29: {  	_ =	swait.ge [sflag:s15], $0x80  }
0x2a: {  	[sflag:s15] =	ssyncset.done $0x0  }
0x2b: {  	[sflag:s15] =	ssyncadd.s32 $0xFFFFFF80  }
0x2c: {  	[tilespmem:s20], [sflag:$0x2] =	stream.indirect.gather [hbm4b:s4+s16], $0x10, s19, s16, $0xb8;
	[tilespmem:$0x5100] =	vst v63  }
0x2d: {  	_ =	swait.ge [sflag:s21], $0x800  }
0x2e: {  	[sflag:s21] =	ssyncset.done $0x0  }
0x2f: {  	[sflag:s21] =	ssyncadd.s32 $0xFFFFF800  }
0x30: {  	[hbm4b:s9+s3] =	stream.linear.scatter [tilespmem:s20], [sflag:$0x5], $0x800, $0x38;
	[tilespmem:$0x5100] =	vst v63  }
0x31: {  	s29 =	sadd.s32 $0x10, s10;
	_ =	swait.ge [sflag:s15], $0x800  }
0x32: {  	s28 =	simm.s32 $0x20;
	s25 =	sadd.s32 $0x100, s9;
	[sflag:s15] =	ssyncset.done $0x0  }
.LBB2_2:
0x33: {  	s30 =	sadd.s32 s28, s10;
	s26 =	simm.s32 $0x0;
	[sflag:s15] =	ssyncadd.s32 $0xFFFFF800  }
0x34: {  	[tilespmem:s19], [sflag:$0x5] =	stream.linear.gather [hbm4b:s29+s26], $0x80, $0x38;
	[tilespmem:$0x5100] =	vst v63  }
0x35: {  	p0 =	sne.s32 s28, $0x1F0;
	s28 =	sadd.s32 $0x10, s28;
	_ =	swait.ge [sflag:s15], $0x80  }
0x36: {  	s29 =	smov.u32 s30;
	[sflag:s15] =	ssyncset.done $0x0  }
0x37: {  	[sflag:s15] =	ssyncadd.s32 $0xFFFFFF80  }
0x38: {  	[tilespmem:s20], [sflag:$0x2] =	stream.indirect.gather [hbm4b:s4+s16], $0x10, s19, s16, $0xb8;
	[tilespmem:$0x5100] =	vst v63  }
0x39: {  	_ =	swait.ge [sflag:s21], $0x800  }
.Ltmp0:
0x3a: {  	[sflag:s21] =	ssyncset.done $0x0;
	(pc) =	sbr.rel @p0 .LBB2_2-.Ltmp0, $4  }
0x3b: {  	[sflag:s21] =	ssyncadd.s32 $0xFFFFF800  }
0x3c: {  	[hbm4b:s25+s26] =	stream.linear.scatter [tilespmem:s20], [sflag:$0x5], $0x800, $0x38;
	[tilespmem:$0x5100] =	vst v63  }
0x3d: {  	_ =	swait.ge [sflag:s15], $0x800  }
0x3e: {  	s25 =	sadd.s32 $0x100, s25;
	[sflag:s15] =	ssyncset.done $0x0  }
0x3f: {  	[sflag:s15] =	ssyncadd.s32 $0xFFFFF800  }
0x40: {  	[tilespmem:s19], [sflag:$0x5] =	stream.linear.gather [hbm4b:s29+s26], $0x80, $0x38;
	[tilespmem:$0x5100] =	vst v63  }
0x41: {  	_ =	swait.ge [sflag:s15], $0x80  }
0x42: {  	[sflag:s15] =	ssyncset.done $0x0  }
0x43: {  	[sflag:s15] =	ssyncadd.s32 $0xFFFFFF80  }
0x44: {  	[tilespmem:s20], [sflag:$0x2] =	stream.indirect.gather [hbm4b:s4+s16], $0x10, s19, s16, $0xb8;
	[tilespmem:$0x5100] =	vst v63  }
0x45: {  	_ =	swait.ge [sflag:s21], $0x800  }
0x46: {  	p1 =	por $0x1, $0x1;
	[sflag:s21] =	ssyncset.done $0x0  }
.Ltmp1:
0x47: {  	[sflag:s21] =	ssyncadd.s32 $0xFFFFF800;
	(pc) =	sbr.rel @!p1 .LBB2_7-.Ltmp1, $4  }
0x48: {  	[hbm4b:s25+s26] =	stream.linear.scatter [tilespmem:s20], [sflag:$0x5], $0x800, $0x38;
	[tilespmem:$0x5100] =	vst v63  }
0x49: {  	p0 =	por $0x0, $0x0;
	_ =	swait.ge [sflag:s15], $0x800  }
0x4a: {  	s28 =	smov.u32 s11;
	p2 =	por $0x0, $0x0;
	[sflag:s15] =	ssyncset.done $0x0  }
0x4b: {  	s29 =	simm.s32 $0x0;
	s25 =	simm.s32 $0x10;
	[sflag:s15] =	ssyncadd.s32 $0xFFFFF800  }
0x4c: {  	s28 =	sadd.s32 $0x0, s12  }
0x4d: {  	[tilespmem:s19], [sflag:$0x5] =	stream.linear.gather [hbm4b:s28+s26], $0x80, $0x38;
	[tilespmem:$0x5100] =	vst v63  }
0x4e: {  	_ =	swait.ge [sflag:s15], $0x80  }
0x4f: {  	[sflag:s15] =	ssyncset.done $0x0  }
0x50: {  	[sflag:s15] =	ssyncadd.s32 $0xFFFFFF80  }
0x51: {  	[tilespmem:s20], [sflag:$0x3] =	stream.indirect.gather [hbm4b:s4+s16], $0x10, s19, s16, $0xb8;
	[tilespmem:$0x5100] =	vst v63  }
0x52: {  	p3 =	por $0x1, $0x1;
	_ =	swait.ge [sflag:s22], $0x800  }
.Ltmp2:
0x53: {  	[sflag:s22] =	ssyncset.done $0x0;
	(pc) =	sbr.rel @!p3 .LBB2_5-.Ltmp2, $4  }
0x54: {  	[sflag:s22] =	ssyncadd.s32 $0xFFFFF800  }
0x55: {  	[hbm4b:s11+s26] =	stream.linear.scatter [tilespmem:s20], [sflag:$0x5], $0x800, $0x38;
	[tilespmem:$0x5100] =	vst v63  }
0x56: {  	s30 =	simm.s32 $0x20;
	p2 =	por $0x1, $0x1;
	_ =	swait.ge [sflag:s15], $0x800  }
0x57: {  	s29 =	simm.s32 $0x10;
	s28 =	sadd.s32 $0x100, s11;
	[sflag:s15] =	ssyncset.done $0x0  }
.LBB2_6:
0x58: {  	s31 =	sadd.s32 s29, s12  }
0x59: {  	[sflag:s15] =	ssyncadd.s32 $0xFFFFF800;
	s29 =	smov.u32 s30;
	s0 =	sadd.s32 $0x10, s30  }
0x5a: {  	[tilespmem:s19], [sflag:$0x5] =	stream.linear.gather [hbm4b:s31+s26], $0x80, $0x38;
	[tilespmem:$0x5100] =	vst v63  }
0x5b: {  	p3 =	sne.s32 s30, $0x1F0;
	_ =	swait.ge [sflag:s15], $0x80  }
0x5c: {  	[sflag:s15] =	ssyncset.done $0x0  }
0x5d: {  	[sflag:s15] =	ssyncadd.s32 $0xFFFFFF80  }
0x5e: {  	[tilespmem:s20], [sflag:$0x3] =	stream.indirect.gather [hbm4b:s4+s16], $0x10, s19, s16, $0xb8;
	[tilespmem:$0x5100] =	vst v63  }
0x5f: {  	_ =	swait.ge [sflag:s22], $0x800  }
.Ltmp3:
0x60: {  	[sflag:s22] =	ssyncset.done $0x0;
	(pc) =	sbr.rel @p3 .LBB2_6-.Ltmp3, $4  }
0x61: {  	[sflag:s22] =	ssyncadd.s32 $0xFFFFF800  }
0x62: {  	[hbm4b:s28+s26] =	stream.linear.scatter [tilespmem:s20], [sflag:$0x5], $0x800, $0x38;
	[tilespmem:$0x5100] =	vst v63  }
0x63: {  	_ =	swait.ge [sflag:s15], $0x800  }
0x64: {  	s30 =	smov.u32 s0;
	s28 =	sadd.s32 $0x100, s28;
	[sflag:s15] =	ssyncset.done $0x0  }
.LBB2_7:
0x65: {  	s0 =	sadd.s32 s29, s12;
	[sflag:s15] =	ssyncadd.s32 @p2 $0xFFFFF800  }
0x66: {  	[tilespmem:s19], [sflag:$0x5] =	stream.linear.gather [hbm4b:s0+s26], $0x80, $0x38;
	[tilespmem:$0x5100] =	vst v63  }
0x67: {  	_ =	swait.ge [sflag:s15], $0x80  }
0x68: {  	[sflag:s15] =	ssyncset.done $0x0  }
0x69: {  	[sflag:s15] =	ssyncadd.s32 $0xFFFFFF80  }
0x6a: {  	[tilespmem:s20], [sflag:$0x3] =	stream.indirect.gather [hbm4b:s4+s16], $0x10, s19, s16, $0xb8;
	[tilespmem:$0x5100] =	vst v63  }
0x6b: {  	_ =	swait.ge [sflag:s22], $0x800  }
0x6c: {  	[sflag:s22] =	ssyncset.done $0x0  }
.Ltmp4:
0x6d: {  	[sflag:s22] =	ssyncadd.s32 $0xFFFFF800;
	(pc) =	sbr.rel @!p1 .LBB2_12-.Ltmp4, $4  }
0x6e: {  	[hbm4b:s28+s26] =	stream.linear.scatter [tilespmem:s20], [sflag:$0x5], $0x800, $0x38;
	[tilespmem:$0x5100] =	vst v63  }
0x6f: {  	_ =	swait.ge [sflag:s15], $0x800  }
0x70: {  	[sflag:s15] =	ssyncset.done $0x0  }
0x71: {  	s28 =	smov.u32 s13;
	[sflag:s15] =	ssyncadd.s32 $0xFFFFF800  }
0x72: {  	s0 =	sadd.s32 $0x0, s14  }
0x73: {  	[tilespmem:s19], [sflag:$0x5] =	stream.linear.gather [hbm4b:s0+s3], $0x80, $0x38;
	[tilespmem:$0x5100] =	vst v63  }
0x74: {  	_ =	swait.ge [sflag:s15], $0x80  }
0x75: {  	[sflag:s15] =	ssyncset.done $0x0  }
0x76: {  	[sflag:s15] =	ssyncadd.s32 $0xFFFFFF80  }
0x77: {  	[tilespmem:s20], [sflag:$0x4] =	stream.indirect.gather [hbm4b:s4+s16], $0x10, s19, s16, $0xb8;
	[tilespmem:$0x5100] =	vst v63  }
0x78: {  	p1 =	por $0x1, $0x1;
	_ =	swait.ge [sflag:s23], $0x800  }
.Ltmp5:
0x79: {  	[sflag:s23] =	ssyncset.done $0x0;
	(pc) =	sbr.rel @!p1 .LBB2_9-.Ltmp5, $4  }
0x7a: {  	[sflag:s23] =	ssyncadd.s32 $0xFFFFF800  }
0x7b: {  	[hbm4b:s13+s3] =	stream.linear.scatter [tilespmem:s20], [sflag:$0x5], $0x800, $0x38;
	[tilespmem:$0x5100] =	vst v63  }
0x7c: {  	s26 =	simm.s32 $0x20;
	_ =	swait.ge [sflag:s15], $0x800  }
0x7d: {  	s28 =	sadd.s32 $0x100, s13;
	p0 =	por $0x1, $0x1;
	[sflag:s15] =	ssyncset.done $0x0  }
.LBB2_10:
0x7e: {  	s0 =	sadd.s32 s25, s14  }
0x7f: {  	[sflag:s15] =	ssyncadd.s32 $0xFFFFF800;
	s25 =	smov.u32 s26;
	s29 =	sadd.s32 $0x10, s26  }
0x80: {  	[tilespmem:s19], [sflag:$0x5] =	stream.linear.gather [hbm4b:s0+s3], $0x80, $0x38;
	[tilespmem:$0x5100] =	vst v63  }
0x81: {  	p1 =	sne.s32 s26, $0x1F0;
	_ =	swait.ge [sflag:s15], $0x80  }
0x82: {  	[sflag:s15] =	ssyncset.done $0x0  }
0x83: {  	[sflag:s15] =	ssyncadd.s32 $0xFFFFFF80  }
0x84: {  	[tilespmem:s20], [sflag:$0x4] =	stream.indirect.gather [hbm4b:s4+s16], $0x10, s19, s16, $0xb8;
	[tilespmem:$0x5100] =	vst v63  }
0x85: {  	_ =	swait.ge [sflag:s23], $0x800  }
.Ltmp6:
0x86: {  	[sflag:s23] =	ssyncset.done $0x0;
	(pc) =	sbr.rel @p1 .LBB2_10-.Ltmp6, $4  }
0x87: {  	[sflag:s23] =	ssyncadd.s32 $0xFFFFF800  }
0x88: {  	[hbm4b:s28+s3] =	stream.linear.scatter [tilespmem:s20], [sflag:$0x5], $0x800, $0x38;
	[tilespmem:$0x5100] =	vst v63  }
0x89: {  	_ =	swait.ge [sflag:s15], $0x800  }
0x8a: {  	s26 =	smov.u32 s29;
	s28 =	sadd.s32 $0x100, s28;
	[sflag:s15] =	ssyncset.done $0x0  }
0x8b: {  	s26 =	smov.u32 s25  }
.LBB2_12:
0x8c: {  	s0 =	sadd.s32 s26, s14;
	[sflag:s15] =	ssyncadd.s32 @p0 $0xFFFFF800  }
0x8d: {  	[tilespmem:s19], [sflag:$0x5] =	stream.linear.gather [hbm4b:s0+s3], $0x80, $0x38;
	[tilespmem:$0x5100] =	vst v63  }
0x8e: {  	_ =	swait.ge [sflag:s15], $0x80  }
0x8f: {  	[sflag:s15] =	ssyncset.done $0x0  }
0x90: {  	[sflag:s15] =	ssyncadd.s32 $0xFFFFFF80  }
0x91: {  	[tilespmem:s20], [sflag:$0x4] =	stream.indirect.gather [hbm4b:s4+s16], $0x10, s19, s16, $0xb8;
	[tilespmem:$0x5100] =	vst v63  }
0x92: {  	_ =	swait.ge [sflag:s23], $0x800  }
0x93: {  	s24 =	sadd.s32 $0x1, s24;
	[sflag:s23] =	ssyncset.done $0x0  }
0x94: {  	p0 =	sne.s32 s24, s8;
	[sflag:s23] =	ssyncadd.s32 $0xFFFFF800  }
0x95: {  	[hbm4b:s28+s3] =	stream.linear.scatter [tilespmem:s20], [sflag:$0x5], $0x800, $0x38;
	[tilespmem:$0x5100] =	vst v63  }
.Ltmp7:
0x96: {  	_ = 	snop;
	(pc) =	sbr.rel @p0 .LBB2_1-.Ltmp7, $4  }
.Ltmp8:
0x97: {  	_ = 	snop;
	(pc) =	sbr.rel @!p0 .LBB2_13-.Ltmp8, $4  }
0x98: {  	_ =	swait.ge [sflag:s15], $0x800  }
0x99: {  	[sflag:s15] =	ssyncset.done $0x0  }
0x9a: {  	[sflag:s15] =	ssyncadd.s32 $0xFFFFF800  }
0x9b: {  	_ = 	snop  }
.LBB2_5:
.Ltmp9:
0x9c: {  	(pc) =	sbr.rel .LBB2_7-.Ltmp9, $2  }
0x9d: {  	_ =	sdelay $0x2  }
0x9e: {  	s29 =	simm.s32 $0x10  }
.LBB2_9:
.Ltmp10:
0x9f: {  	(pc) =	sbr.rel .LBB2_12-.Ltmp10, $2  }
0xa0: {  	_ =	sdelay $0x2  }
0xa1: {  	s26 =	simm.s32 $0x10  }
.LBB2_13:
0xa2: {  	_ =	sfence.sel $0x180000  }
0xa3: {  	[bflag:$0x0] =	sbarrier.arrive $0xFFFF  }
0xa4: {  	_ =	strace $0x90000047  }
0xa5: {  	[bflag:$0x2] =	sbarrier.arrive $0xFFFF  }
0xa6: {  	p0 =	sne.s32 s2, $0x0;
	s0 =	rddreg [dreg:$0x4]  }
0xa7: {  	s0 =	sadd.s32 @!p0 $0x100000, s0  }
0xa8: {  	[sflag:s0] =	ssyncadd.tile.s32 @!p0 $0x1;
	_ =	shalt  }
.Lfunc_end2:
_tile_overlayer_lowered:
.L_overlay_start_2:
0xa9: {  	(tag) =	ssettag $0x2  }
0xaa: {  	s0 =	rddreg [dreg:$0x0];
	s2 =	stileid.u32  }
0xab: {  	s1 =	rddreg [dreg:$0x1];
	p0 =	sne.s32 s2, $0x0  }
0xac: {  	s3 =	rddreg [dreg:$0x2];
	[bflag:$0x3] =	sbarrier.arrive $0xFFFF;
	s2 =	simm.s32 @!p0 $0x1C05  }
0xad: {  	[timem:s3], [sflag:s2] =	dma.local @!p0 [hbm:s0], s1  }
0xae: {  	s0 =	simm.s32 @!p0 $0x5  }
0xaf: {  	_ =	swait.ge @!p0 [sflag:s0], s1  }
0xb0: {  	s1 =	ssub.s32 @!p0 $0x0, s1;
	[sflag:s0] =	ssyncset.done @!p0 $0x0  }
0xb1: {  	[sflag:s0] =	ssyncadd.s32 @!p0 s1  }
0xb2: {  	[bflag:$0x3] =	sbarrier.arrive $0xFFFF  }
0xb3: {  	_ =	shalt  }

</sc_bundles>
